<compile_context>
chip_gen: v7x
topology: tpu7x:2x2x1
jax: 0.10.2.dev20260603
libtpu: 0.0.44.dev20260713+nightly
codegen_flags: <defaults>
</compile_context>

<pallas_src>
import functools

import jax
import jax.numpy as jnp
from jax import lax
from jax.experimental import pallas as pl
from jax.experimental.pallas import tpu as pltpu
from jax.experimental.pallas import tpu_sc as plsc

N_CODES = 8192
DIM = 32
TOK_TILE = 4096
CODE_CHUNK = 2048
GATHER_CHUNK = 128
LANES = 128


def _argmin_body(z_ref, embs_ref, idx_ref, e2_ref):
    n_chunks = N_CODES // CODE_CHUNK
    n_slices = CODE_CHUNK // LANES

    @pl.when(pl.program_id(0) == 0)
    def _():
        e = embs_ref[...]
        e2_ref[...] = jnp.sum(e * e, axis=-1).reshape(N_CODES // LANES, LANES)

    z = z_ref[...]
    z2 = jnp.sum(z * z, axis=-1, keepdims=True)
    zz = z + z

    m_run = jnp.full((TOK_TILE, LANES), jnp.inf, jnp.float32)
    s_run = jnp.zeros((TOK_TILE, LANES), jnp.int32)
    for c in range(n_chunks):
        e = embs_ref[pl.ds(c * CODE_CHUNK, CODE_CHUNK), :]
        sim2 = lax.dot_general(zz, e, (((1,), (1,)), ((), ())))
        for s in range(n_slices):
            sim2_s = lax.slice(sim2, (0, s * LANES), (TOK_TILE, (s + 1) * LANES))
            e2_s = e2_ref[pl.ds(c * n_slices + s, 1), :]
            dist = (z2 + e2_s) - sim2_s
            better = dist < m_run
            m_run = jnp.minimum(dist, m_run)
            s_run = jnp.where(better, c * n_slices + s, s_run)

    m_fin = jnp.min(m_run, axis=1, keepdims=True)
    lane = lax.broadcasted_iota(jnp.int32, (TOK_TILE, LANES), 1)
    full_idx = s_run * LANES + lane
    cand = jnp.where(m_run == m_fin, full_idx, 2**30)
    idx = jnp.min(cand, axis=1)
    idx_ref[...] = idx.reshape(idx_ref.shape)


def _code_indices(z, embs):
    n_tok = z.shape[0]
    grid = n_tok // TOK_TILE
    idx3 = pl.pallas_call(
        _argmin_body,
        grid=(grid,),
        in_specs=[
            pl.BlockSpec((TOK_TILE, DIM), lambda i: (i, 0)),
            pl.BlockSpec((N_CODES, DIM), lambda i: (0, 0)),
        ],
        out_specs=pl.BlockSpec((1, 1, TOK_TILE), lambda i: (i, 0, 0)),
        out_shape=jax.ShapeDtypeStruct((grid, 1, TOK_TILE), jnp.int32),
        scratch_shapes=[pltpu.VMEM((N_CODES // LANES, LANES), jnp.float32)],
        compiler_params=pltpu.CompilerParams(
            dimension_semantics=("parallel",)),
    )(z, embs)
    return idx3.reshape(n_tok)


def _gather_rows(embs, idx):
    n_tok = idx.shape[0]
    mesh = plsc.VectorSubcoreMesh(core_axis_name="c", subcore_axis_name="s")
    info = plsc.get_sparse_core_info()
    n_workers = info.num_cores * info.num_subcores
    per_w = n_tok // n_workers
    n_sub = per_w // GATHER_CHUNK
    idx2d = idx.reshape(n_tok // GATHER_CHUNK, GATHER_CHUNK)

    @functools.partial(
        pl.kernel, mesh=mesh,
        out_type=jax.ShapeDtypeStruct((n_tok, DIM), jnp.float32),
        scratch_types=[
            pltpu.VMEM((n_sub, GATHER_CHUNK), jnp.int32),
            pltpu.VMEM((per_w, DIM), jnp.float32),
            pltpu.SemaphoreType.DMA,
        ],
        compiler_params=pltpu.CompilerParams(use_tc_tiling_on_sc=False),
    )
    def gather_k(embs_hbm, idx_hbm, out_hbm, idx_v, rows_v, sem):
        wid = lax.axis_index("s") * info.num_cores + lax.axis_index("c")
        base = wid * per_w
        pltpu.sync_copy(idx_hbm.at[pl.ds(wid * n_sub, n_sub), :], idx_v)
        copies = [
            pltpu.async_copy(
                embs_hbm.at[idx_v.at[j]],
                rows_v.at[pl.ds(j * GATHER_CHUNK, GATHER_CHUNK), :],
                sem,
            )
            for j in range(n_sub)
        ]
        for cp in copies:
            cp.wait()
        pltpu.sync_copy(rows_v, out_hbm.at[pl.ds(base, per_w)])

    return gather_k(embs, idx2d)


def kernel(ze, embs):
    b, h, w, c = ze.shape
    z = ze.reshape(-1, c)
    idx = _code_indices(z, embs)
    zq = _gather_rows(embs, idx)
    return zq.reshape(b, h, w, c)

# --- scband reference (transcript-rebuilt; emitter-appended) ---
"""Pipeline reference for scband-vector-quantizer-6708738916584 (READ-ONLY COPY).

The authoritative reference and input builder live on the scoring server;
editing this copy changes nothing except your own understanding.
"""

import jax, jax.numpy as jnp
import numpy as np

N_EMBS = 8192
BETA = 0.25

def setup_inputs(seed: int = 0) -> dict:
    key = jax.random.key(seed)
    k1, k2 = jax.random.split(key)
    ze = jax.random.normal(k1, (16, 32, 32, 32), dtype=jnp.float32)
    # learned codebook, sized per init_kwargs (n_embs x emb_dim), uniform init like tf.random_uniform_initializer
    embs = jax.random.uniform(k2, (N_EMBS, 32), dtype=jnp.float32)
    return {"ze": ze, "embs": embs}

def get_code_idx(z, embs):
    similarity = z @ embs.T
    distances = (jnp.sum(z ** 2, axis=-1, keepdims=True)
                 + jnp.sum(embs ** 2, axis=-1)[None, :]
                 - 2.0 * similarity)
    idx = jnp.argmin(distances, axis=-1)
    return idx

def reference(ze, embs):
    b, h, w, c = ze.shape
    z = ze.reshape(-1, c)
    idx = get_code_idx(z, embs)
    zq = jnp.take(embs, idx, axis=0)
    zq = zq.reshape(b, h, w, c)
    commitment_loss = BETA * jnp.mean((jax.lax.stop_gradient(zq) - ze) ** 2)
    codebook_loss = jnp.mean((zq - jax.lax.stop_gradient(ze)) ** 2)
    _loss = commitment_loss + codebook_loss  # add_loss side effect; not returned by call()
    zq_st = ze + jax.lax.stop_gradient(zq - ze)
    return zq_st

if __name__ == "__main__":
    import jax
    _d = setup_inputs()
    print(jax.jit(kernel)(*tuple(_d.values())))

</pallas_src>

<mosaic_0001>
#map = affine_map<(d0, d1) -> (0, 0)>
module attributes {stable_mosaic.version = 14 : i64} {
  func.func @gather_k(%arg0: i32, %arg1: i32, %arg2: memref<8192x32xf32, #tpu.memory_space<hbm>>, %arg3: memref<128x128xi32, #tpu.memory_space<hbm>>, %arg4: memref<16384x32xf32, #tpu.memory_space<hbm>>, %arg5: memref<4x128xi32, #tpu.memory_space<vmem>>, %arg6: memref<512x32xf32, #tpu.memory_space<vmem>>, %arg7: memref<!tpu.dma_semaphore, #tpu.memory_space<semaphore_mem>>) attributes {dimension_semantics = [#tpu.dimension_semantics<core_parallel>, #tpu.dimension_semantics<subcore_parallel>], iteration_bounds = array<i64: 2, 16>, scalar_prefetch = 0 : i64, scratch_operands = 3 : i64, tpu.core_type = #tpu.core_type<sc_vector_subcore>, window_params = [{transform_indices = #map}, {transform_indices = #map}, {transform_indices = #map}]} {
    %mul3A = arith.constant 2 : i32
    %mul3A_0 = arith.muli %arg1, %mul3A : i32
    %add3A = arith.addi %mul3A_0, %arg0 : i32
    %mul3A_1 = arith.constant 512 : i32
    %mul3A_2 = arith.muli %add3A, %mul3A_1 : i32
    %mul3A_3 = arith.constant 4 : i32
    %mul3A_4 = arith.muli %add3A, %mul3A_3 : i32
    "tpu.region"() ({
      %run_scoped3A = tpu.sem_alloc : memref<!tpu.dma_semaphore, #tpu.memory_space<semaphore_mem>>
      %dma_start3A_83 = arith.constant 0 : i32
      %dma_start3A_84 = tpu.memref_slice %arg3[%mul3A_4, %dma_start3A_83] : memref<128x128xi32, #tpu.memory_space<hbm>> -> memref<4x128xi32, #tpu.memory_space<hbm>>
      %dma_start3A_85 = arith.constant 0 : i32
      %dma_start3A_86 = tpu.memref_slice %arg3[%mul3A_4, %dma_start3A_85] : memref<128x128xi32, #tpu.memory_space<hbm>> -> memref<4x128xi32, #tpu.memory_space<hbm>>
      tpu.enqueue_dma source(%dma_start3A_86 : memref<4x128xi32, #tpu.memory_space<hbm>>) target(%arg5 : memref<4x128xi32, #tpu.memory_space<vmem>>) target_semaphore(%run_scoped3A : memref<!tpu.dma_semaphore, #tpu.memory_space<semaphore_mem>>)
      %dma_wait3A_87 = arith.constant 0 : i32
      %dma_wait3A_88 = tpu.memref_slice %arg3[%mul3A_4, %dma_wait3A_87] : memref<128x128xi32, #tpu.memory_space<hbm>> -> memref<4x128xi32, #tpu.memory_space<hbm>>
      %dma_wait3A_89 = arith.constant 0 : i32
      %dma_wait3A_90 = tpu.memref_slice %arg3[%mul3A_4, %dma_wait3A_89] : memref<128x128xi32, #tpu.memory_space<hbm>> -> memref<4x128xi32, #tpu.memory_space<hbm>>
      tpu.wait_dma2 semaphore(%run_scoped3A : memref<!tpu.dma_semaphore, #tpu.memory_space<semaphore_mem>>) src(%dma_wait3A_90 : memref<4x128xi32, #tpu.memory_space<hbm>>) dst(%arg5 : memref<4x128xi32, #tpu.memory_space<vmem>>)
      tpu.yield
    }) : () -> ()
    %dma_start3A = arith.constant 0 : i32
    %dma_start3A_5 = arith.constant 0 : i32
    %dma_start3A_6 = arith.constant 0 : i32
    %dma_start3A_7 = tpu.memref_slice %arg6[%dma_start3A_5, %dma_start3A_6] : memref<512x32xf32, #tpu.memory_space<vmem>> -> memref<128x32xf32, #tpu.memory_space<vmem>>
    %dma_start3A_8 = arith.constant 0 : i32
    %dma_start3A_9 = tpu.memref_slice %arg5[%dma_start3A, %dma_start3A_8] : memref<4x128xi32, #tpu.memory_space<vmem>> -> memref<1x128xi32, #tpu.memory_space<vmem>>
    %dma_start3A_10 = tpu.memref_squeeze %dma_start3A_9 : memref<1x128xi32, #tpu.memory_space<vmem>> -> memref<128xi32, #tpu.memory_space<vmem>>
    %dma_start3A_11 = arith.constant 0 : i32
    %dma_start3A_12 = arith.constant 0 : i32
    %dma_start3A_13 = tpu.memref_slice %arg2[%dma_start3A_11, %dma_start3A_12] : memref<8192x32xf32, #tpu.memory_space<hbm>> -> memref<8192x32xf32, #tpu.memory_space<hbm>>
    tpu.enqueue_indirect_dma source(%dma_start3A_13 : memref<8192x32xf32, #tpu.memory_space<hbm>>) target(%dma_start3A_7 : memref<128x32xf32, #tpu.memory_space<vmem>>) offsets(%dma_start3A_10 : memref<128xi32, #tpu.memory_space<vmem>>) semaphore(%arg7 : memref<!tpu.dma_semaphore, #tpu.memory_space<semaphore_mem>>)
    %dma_start3A_14 = arith.constant 1 : i32
    %dma_start3A_15 = arith.constant 128 : i32
    %dma_start3A_16 = arith.constant 0 : i32
    %dma_start3A_17 = tpu.memref_slice %arg6[%dma_start3A_15, %dma_start3A_16] : memref<512x32xf32, #tpu.memory_space<vmem>> -> memref<128x32xf32, #tpu.memory_space<vmem>>
    %dma_start3A_18 = arith.constant 0 : i32
    %dma_start3A_19 = tpu.memref_slice %arg5[%dma_start3A_14, %dma_start3A_18] : memref<4x128xi32, #tpu.memory_space<vmem>> -> memref<1x128xi32, #tpu.memory_space<vmem>>
    %dma_start3A_20 = tpu.memref_squeeze %dma_start3A_19 : memref<1x128xi32, #tpu.memory_space<vmem>> -> memref<128xi32, #tpu.memory_space<vmem>>
    %dma_start3A_21 = arith.constant 0 : i32
    %dma_start3A_22 = arith.constant 0 : i32
    %dma_start3A_23 = tpu.memref_slice %arg2[%dma_start3A_21, %dma_start3A_22] : memref<8192x32xf32, #tpu.memory_space<hbm>> -> memref<8192x32xf32, #tpu.memory_space<hbm>>
    tpu.enqueue_indirect_dma source(%dma_start3A_23 : memref<8192x32xf32, #tpu.memory_space<hbm>>) target(%dma_start3A_17 : memref<128x32xf32, #tpu.memory_space<vmem>>) offsets(%dma_start3A_20 : memref<128xi32, #tpu.memory_space<vmem>>) semaphore(%arg7 : memref<!tpu.dma_semaphore, #tpu.memory_space<semaphore_mem>>)
    %dma_start3A_24 = arith.constant 2 : i32
    %dma_start3A_25 = arith.constant 256 : i32
    %dma_start3A_26 = arith.constant 0 : i32
    %dma_start3A_27 = tpu.memref_slice %arg6[%dma_start3A_25, %dma_start3A_26] : memref<512x32xf32, #tpu.memory_space<vmem>> -> memref<128x32xf32, #tpu.memory_space<vmem>>
    %dma_start3A_28 = arith.constant 0 : i32
    %dma_start3A_29 = tpu.memref_slice %arg5[%dma_start3A_24, %dma_start3A_28] : memref<4x128xi32, #tpu.memory_space<vmem>> -> memref<1x128xi32, #tpu.memory_space<vmem>>
    %dma_start3A_30 = tpu.memref_squeeze %dma_start3A_29 : memref<1x128xi32, #tpu.memory_space<vmem>> -> memref<128xi32, #tpu.memory_space<vmem>>
    %dma_start3A_31 = arith.constant 0 : i32
    %dma_start3A_32 = arith.constant 0 : i32
    %dma_start3A_33 = tpu.memref_slice %arg2[%dma_start3A_31, %dma_start3A_32] : memref<8192x32xf32, #tpu.memory_space<hbm>> -> memref<8192x32xf32, #tpu.memory_space<hbm>>
    tpu.enqueue_indirect_dma source(%dma_start3A_33 : memref<8192x32xf32, #tpu.memory_space<hbm>>) target(%dma_start3A_27 : memref<128x32xf32, #tpu.memory_space<vmem>>) offsets(%dma_start3A_30 : memref<128xi32, #tpu.memory_space<vmem>>) semaphore(%arg7 : memref<!tpu.dma_semaphore, #tpu.memory_space<semaphore_mem>>)
    %dma_start3A_34 = arith.constant 3 : i32
    %dma_start3A_35 = arith.constant 384 : i32
    %dma_start3A_36 = arith.constant 0 : i32
    %dma_start3A_37 = tpu.memref_slice %arg6[%dma_start3A_35, %dma_start3A_36] : memref<512x32xf32, #tpu.memory_space<vmem>> -> memref<128x32xf32, #tpu.memory_space<vmem>>
    %dma_start3A_38 = arith.constant 0 : i32
    %dma_start3A_39 = tpu.memref_slice %arg5[%dma_start3A_34, %dma_start3A_38] : memref<4x128xi32, #tpu.memory_space<vmem>> -> memref<1x128xi32, #tpu.memory_space<vmem>>
    %dma_start3A_40 = tpu.memref_squeeze %dma_start3A_39 : memref<1x128xi32, #tpu.memory_space<vmem>> -> memref<128xi32, #tpu.memory_space<vmem>>
    %dma_start3A_41 = arith.constant 0 : i32
    %dma_start3A_42 = arith.constant 0 : i32
    %dma_start3A_43 = tpu.memref_slice %arg2[%dma_start3A_41, %dma_start3A_42] : memref<8192x32xf32, #tpu.memory_space<hbm>> -> memref<8192x32xf32, #tpu.memory_space<hbm>>
    tpu.enqueue_indirect_dma source(%dma_start3A_43 : memref<8192x32xf32, #tpu.memory_space<hbm>>) target(%dma_start3A_37 : memref<128x32xf32, #tpu.memory_space<vmem>>) offsets(%dma_start3A_40 : memref<128xi32, #tpu.memory_space<vmem>>) semaphore(%arg7 : memref<!tpu.dma_semaphore, #tpu.memory_space<semaphore_mem>>)
    %dma_wait3A = arith.constant 0 : i32
    %dma_wait3A_44 = arith.constant 0 : i32
    %dma_wait3A_45 = arith.constant 0 : i32
    %dma_wait3A_46 = tpu.memref_slice %arg6[%dma_wait3A_44, %dma_wait3A_45] : memref<512x32xf32, #tpu.memory_space<vmem>> -> memref<128x32xf32, #tpu.memory_space<vmem>>
    %dma_wait3A_47 = arith.constant 0 : i32
    %dma_wait3A_48 = tpu.memref_slice %arg5[%dma_wait3A, %dma_wait3A_47] : memref<4x128xi32, #tpu.memory_space<vmem>> -> memref<1x128xi32, #tpu.memory_space<vmem>>
    %dma_wait3A_49 = tpu.memref_squeeze %dma_wait3A_48 : memref<1x128xi32, #tpu.memory_space<vmem>> -> memref<128xi32, #tpu.memory_space<vmem>>
    %dma_wait3A_50 = arith.constant 0 : i32
    %dma_wait3A_51 = arith.constant 0 : i32
    %dma_wait3A_52 = tpu.memref_slice %arg2[%dma_wait3A_50, %dma_wait3A_51] : memref<8192x32xf32, #tpu.memory_space<hbm>> -> memref<8192x32xf32, #tpu.memory_space<hbm>>
    tpu.wait_indirect_dma semaphore(%arg7 : memref<!tpu.dma_semaphore, #tpu.memory_space<semaphore_mem>>) src(%dma_wait3A_52 : memref<8192x32xf32, #tpu.memory_space<hbm>>) dst(%dma_wait3A_46 : memref<128x32xf32, #tpu.memory_space<vmem>>)
    %dma_wait3A_53 = arith.constant 1 : i32
    %dma_wait3A_54 = arith.constant 128 : i32
    %dma_wait3A_55 = arith.constant 0 : i32
    %dma_wait3A_56 = tpu.memref_slice %arg6[%dma_wait3A_54, %dma_wait3A_55] : memref<512x32xf32, #tpu.memory_space<vmem>> -> memref<128x32xf32, #tpu.memory_space<vmem>>
    %dma_wait3A_57 = arith.constant 0 : i32
    %dma_wait3A_58 = tpu.memref_slice %arg5[%dma_wait3A_53, %dma_wait3A_57] : memref<4x128xi32, #tpu.memory_space<vmem>> -> memref<1x128xi32, #tpu.memory_space<vmem>>
    %dma_wait3A_59 = tpu.memref_squeeze %dma_wait3A_58 : memref<1x128xi32, #tpu.memory_space<vmem>> -> memref<128xi32, #tpu.memory_space<vmem>>
    %dma_wait3A_60 = arith.constant 0 : i32
    %dma_wait3A_61 = arith.constant 0 : i32
    %dma_wait3A_62 = tpu.memref_slice %arg2[%dma_wait3A_60, %dma_wait3A_61] : memref<8192x32xf32, #tpu.memory_space<hbm>> -> memref<8192x32xf32, #tpu.memory_space<hbm>>
    tpu.wait_indirect_dma semaphore(%arg7 : memref<!tpu.dma_semaphore, #tpu.memory_space<semaphore_mem>>) src(%dma_wait3A_62 : memref<8192x32xf32, #tpu.memory_space<hbm>>) dst(%dma_wait3A_56 : memref<128x32xf32, #tpu.memory_space<vmem>>)
    %dma_wait3A_63 = arith.constant 2 : i32
    %dma_wait3A_64 = arith.constant 256 : i32
    %dma_wait3A_65 = arith.constant 0 : i32
    %dma_wait3A_66 = tpu.memref_slice %arg6[%dma_wait3A_64, %dma_wait3A_65] : memref<512x32xf32, #tpu.memory_space<vmem>> -> memref<128x32xf32, #tpu.memory_space<vmem>>
    %dma_wait3A_67 = arith.constant 0 : i32
    %dma_wait3A_68 = tpu.memref_slice %arg5[%dma_wait3A_63, %dma_wait3A_67] : memref<4x128xi32, #tpu.memory_space<vmem>> -> memref<1x128xi32, #tpu.memory_space<vmem>>
    %dma_wait3A_69 = tpu.memref_squeeze %dma_wait3A_68 : memref<1x128xi32, #tpu.memory_space<vmem>> -> memref<128xi32, #tpu.memory_space<vmem>>
    %dma_wait3A_70 = arith.constant 0 : i32
    %dma_wait3A_71 = arith.constant 0 : i32
    %dma_wait3A_72 = tpu.memref_slice %arg2[%dma_wait3A_70, %dma_wait3A_71] : memref<8192x32xf32, #tpu.memory_space<hbm>> -> memref<8192x32xf32, #tpu.memory_space<hbm>>
    tpu.wait_indirect_dma semaphore(%arg7 : memref<!tpu.dma_semaphore, #tpu.memory_space<semaphore_mem>>) src(%dma_wait3A_72 : memref<8192x32xf32, #tpu.memory_space<hbm>>) dst(%dma_wait3A_66 : memref<128x32xf32, #tpu.memory_space<vmem>>)
    %dma_wait3A_73 = arith.constant 3 : i32
    %dma_wait3A_74 = arith.constant 384 : i32
    %dma_wait3A_75 = arith.constant 0 : i32
    %dma_wait3A_76 = tpu.memref_slice %arg6[%dma_wait3A_74, %dma_wait3A_75] : memref<512x32xf32, #tpu.memory_space<vmem>> -> memref<128x32xf32, #tpu.memory_space<vmem>>
    %dma_wait3A_77 = arith.constant 0 : i32
    %dma_wait3A_78 = tpu.memref_slice %arg5[%dma_wait3A_73, %dma_wait3A_77] : memref<4x128xi32, #tpu.memory_space<vmem>> -> memref<1x128xi32, #tpu.memory_space<vmem>>
    %dma_wait3A_79 = tpu.memref_squeeze %dma_wait3A_78 : memref<1x128xi32, #tpu.memory_space<vmem>> -> memref<128xi32, #tpu.memory_space<vmem>>
    %dma_wait3A_80 = arith.constant 0 : i32
    %dma_wait3A_81 = arith.constant 0 : i32
    %dma_wait3A_82 = tpu.memref_slice %arg2[%dma_wait3A_80, %dma_wait3A_81] : memref<8192x32xf32, #tpu.memory_space<hbm>> -> memref<8192x32xf32, #tpu.memory_space<hbm>>
    tpu.wait_indirect_dma semaphore(%arg7 : memref<!tpu.dma_semaphore, #tpu.memory_space<semaphore_mem>>) src(%dma_wait3A_82 : memref<8192x32xf32, #tpu.memory_space<hbm>>) dst(%dma_wait3A_76 : memref<128x32xf32, #tpu.memory_space<vmem>>)
    "tpu.region"() ({
      %run_scoped3A = tpu.sem_alloc : memref<!tpu.dma_semaphore, #tpu.memory_space<semaphore_mem>>
      %dma_start3A_83 = arith.constant 0 : i32
      %dma_start3A_84 = tpu.memref_slice %arg4[%mul3A_2, %dma_start3A_83] : memref<16384x32xf32, #tpu.memory_space<hbm>> -> memref<512x32xf32, #tpu.memory_space<hbm>>
      %dma_start3A_85 = arith.constant 0 : i32
      %dma_start3A_86 = tpu.memref_slice %arg4[%mul3A_2, %dma_start3A_85] : memref<16384x32xf32, #tpu.memory_space<hbm>> -> memref<512x32xf32, #tpu.memory_space<hbm>>
      tpu.enqueue_dma source(%arg6 : memref<512x32xf32, #tpu.memory_space<vmem>>) target(%dma_start3A_86 : memref<512x32xf32, #tpu.memory_space<hbm>>) target_semaphore(%run_scoped3A : memref<!tpu.dma_semaphore, #tpu.memory_space<semaphore_mem>>)
      %dma_wait3A_87 = arith.constant 0 : i32
      %dma_wait3A_88 = tpu.memref_slice %arg4[%mul3A_2, %dma_wait3A_87] : memref<16384x32xf32, #tpu.memory_space<hbm>> -> memref<512x32xf32, #tpu.memory_space<hbm>>
      %dma_wait3A_89 = arith.constant 0 : i32
      %dma_wait3A_90 = tpu.memref_slice %arg4[%mul3A_2, %dma_wait3A_89] : memref<16384x32xf32, #tpu.memory_space<hbm>> -> memref<512x32xf32, #tpu.memory_space<hbm>>
      tpu.wait_dma2 semaphore(%run_scoped3A : memref<!tpu.dma_semaphore, #tpu.memory_space<semaphore_mem>>) src(%arg6 : memref<512x32xf32, #tpu.memory_space<vmem>>) dst(%dma_wait3A_90 : memref<512x32xf32, #tpu.memory_space<hbm>>)
      tpu.yield
    }) : () -> ()
    return
  }
}

module attributes {stable_mosaic.version = 14 : i64} {
  func.func @_argmin_body(%arg0: i32, %arg1: memref<4096x32xf32, #tpu.memory_space<vmem>>, %arg2: memref<8192x32xf32, #tpu.memory_space<vmem>>, %arg3: memref<1x1x4096xi32, #tpu.memory_space<vmem>>, %arg4: memref<64x128xf32, #tpu.memory_space<vmem>>) attributes {dimension_semantics = [#tpu.dimension_semantics<parallel>], iteration_bounds = array<i64: 4>, scalar_prefetch = 0 : i64, scratch_operands = 1 : i64, tpu.core_type = #tpu.core_type<tc>, window_params = [{transform_indices = @transform_0, window_bounds = array<i64: 4096, 32>}, {pipeline_mode = #tpu.pipeline_mode<synchronous>, transform_indices = @transform_1, window_bounds = array<i64: 8192, 32>}, {transform_indices = @transform_2, window_bounds = array<i64: 1, 1, 4096>}]} {
    %eq3A = arith.constant 0 : i32
    %eq3A_0 = arith.cmpi eq, %arg0, %eq3A : i32
    %convert_element_type3A = arith.extui %eq3A_0 : i1 to i32
    %cond3A = arith.constant 0 : i32
    %cond3A_1 = arith.cmpi ne, %convert_element_type3A, %cond3A : i32
    scf.if %cond3A_1 {
      %get3A_870 = arith.constant 0 : index
      %get3A_871 = arith.constant 0 : index
      %get3A_872 = vector.load %arg2[%get3A_870, %get3A_871] : memref<8192x32xf32, #tpu.memory_space<vmem>>, vector<8192x32xf32>
      %mul3A_873 = arith.mulf %get3A_872, %get3A_872 : vector<8192x32xf32>
      %reduce_sum3A_874 = arith.constant dense<0.000000e+00> : vector<8192xf32>
      %reduce_sum3A_875 = vector.multi_reduction <add>, %mul3A_873, %reduce_sum3A_874 [1] : vector<8192x32xf32> to vector<8192xf32>
      %reshape3A_876 = vector.shape_cast %reduce_sum3A_875 : vector<8192xf32> to vector<64x128xf32>
      %swap3A_877 = arith.constant 0 : index
      %swap3A_878 = arith.constant 0 : index
      %swap3A_879 = vector.load %arg4[%swap3A_877, %swap3A_878] : memref<64x128xf32, #tpu.memory_space<vmem>>, vector<64x128xf32>
      tpu.vector_store %arg4[%swap3A_877, %swap3A_878], %reshape3A_876 {strides = array<i32>} : memref<64x128xf32, #tpu.memory_space<vmem>>, vector<64x128xf32>,
    } else {
    }
    %get3A = arith.constant 0 : index
    %get3A_2 = arith.constant 0 : index
    %get3A_3 = vector.load %arg1[%get3A, %get3A_2] : memref<4096x32xf32, #tpu.memory_space<vmem>>, vector<4096x32xf32>
    %mul3A = arith.mulf %get3A_3, %get3A_3 : vector<4096x32xf32>
    %reduce_sum3A = arith.constant dense<0.000000e+00> : vector<4096xf32>
    %reduce_sum3A_4 = vector.multi_reduction <add>, %mul3A, %reduce_sum3A [1] : vector<4096x32xf32> to vector<4096xf32>
    %broadcast_in_dim3A = vector.shape_cast %reduce_sum3A_4 : vector<4096xf32> to vector<4096x1xf32>
    %add3A = arith.addf %get3A_3, %get3A_3 : vector<4096x32xf32>
    %broadcast_in_dim3A_5 = arith.constant 0x7F800000 : f32
    %broadcast_in_dim3A_6 = vector.broadcast %broadcast_in_dim3A_5 : f32 to vector<4096x128xf32>
    %broadcast_in_dim3A_7 = arith.constant 0 : i32
    %broadcast_in_dim3A_8 = vector.broadcast %broadcast_in_dim3A_7 : i32 to vector<4096x128xi32>
    %get3A_9 = arith.constant 0 : index
    %get3A_10 = arith.constant 0 : index
    %get3A_11 = vector.load %arg2[%get3A_9, %get3A_10] : memref<8192x32xf32, #tpu.memory_space<vmem>>, vector<2048x32xf32>
    %dot_general3A = arith.constant dense<0.000000e+00> : vector<4096x2048xf32>
    %dot_general3A_12 = tpu.matmul %add3A, %get3A_11, %dot_general3A {dimension_numbers = #tpu.dot_dimension_numbers<[1], [1], [0], [0], [0, 0, 1, 0], [], []>, transpose_lhs_hint = false} : vector<4096x32xf32>, vector<2048x32xf32>, vector<4096x2048xf32> -> vector<4096x2048xf32>
    %slice3A = vector.extract_strided_slice %dot_general3A_12 {offsets = [0, 0], sizes = [4096, 128], strides = [1, 1]} : vector<4096x2048xf32> to vector<4096x128xf32>
    %get3A_13 = arith.constant 0 : index
    %get3A_14 = arith.constant 0 : index
    %get3A_15 = vector.load %arg4[%get3A_13, %get3A_14] : memref<64x128xf32, #tpu.memory_space<vmem>>, vector<1x128xf32>
    %add3A_16 = vector.broadcast %broadcast_in_dim3A : vector<4096x1xf32> to vector<4096x128xf32>
    %add3A_17 = vector.broadcast %get3A_15 : vector<1x128xf32> to vector<4096x128xf32>
    %add3A_18 = arith.addf %add3A_16, %add3A_17 : vector<4096x128xf32>
    %sub3A = arith.subf %add3A_18, %slice3A : vector<4096x128xf32>
    %lt3A = arith.cmpf olt, %sub3A, %broadcast_in_dim3A_6 : vector<4096x128xf32>
    %min3A = arith.minimumf %sub3A, %broadcast_in_dim3A_6 : vector<4096x128xf32>
    %jit3A = arith.constant 0 : i32
    %broadcast_in_dim3A_19 = vector.broadcast %jit3A : i32 to vector<4096x128xi32>
    %select_n3A = arith.select %lt3A, %broadcast_in_dim3A_19, %broadcast_in_dim3A_8 : vector<4096x128xi1>, vector<4096x128xi32>
    %slice3A_20 = vector.extract_strided_slice %dot_general3A_12 {offsets = [0, 128], sizes = [4096, 128], strides = [1, 1]} : vector<4096x2048xf32> to vector<4096x128xf32>
    %get3A_21 = arith.constant 1 : index
    %get3A_22 = arith.constant 0 : index
    %get3A_23 = vector.load %arg4[%get3A_21, %get3A_22] : memref<64x128xf32, #tpu.memory_space<vmem>>, vector<1x128xf32>
    %add3A_24 = vector.broadcast %broadcast_in_dim3A : vector<4096x1xf32> to vector<4096x128xf32>
    %add3A_25 = vector.broadcast %get3A_23 : vector<1x128xf32> to vector<4096x128xf32>
    %add3A_26 = arith.addf %add3A_24, %add3A_25 : vector<4096x128xf32>
    %sub3A_27 = arith.subf %add3A_26, %slice3A_20 : vector<4096x128xf32>
    %lt3A_28 = arith.cmpf olt, %sub3A_27, %min3A : vector<4096x128xf32>
    %min3A_29 = arith.minimumf %sub3A_27, %min3A : vector<4096x128xf32>
    %jit3A_30 = arith.constant 1 : i32
    %broadcast_in_dim3A_31 = vector.broadcast %jit3A_30 : i32 to vector<4096x128xi32>
    %select_n3A_32 = arith.select %lt3A_28, %broadcast_in_dim3A_31, %select_n3A : vector<4096x128xi1>, vector<4096x128xi32>
    %slice3A_33 = vector.extract_strided_slice %dot_general3A_12 {offsets = [0, 256], sizes = [4096, 128], strides = [1, 1]} : vector<4096x2048xf32> to vector<4096x128xf32>
    %get3A_34 = arith.constant 2 : index
    %get3A_35 = arith.constant 0 : index
    %get3A_36 = vector.load %arg4[%get3A_34, %get3A_35] : memref<64x128xf32, #tpu.memory_space<vmem>>, vector<1x128xf32>
    %add3A_37 = vector.broadcast %broadcast_in_dim3A : vector<4096x1xf32> to vector<4096x128xf32>
    %add3A_38 = vector.broadcast %get3A_36 : vector<1x128xf32> to vector<4096x128xf32>
    %add3A_39 = arith.addf %add3A_37, %add3A_38 : vector<4096x128xf32>
    %sub3A_40 = arith.subf %add3A_39, %slice3A_33 : vector<4096x128xf32>
    %lt3A_41 = arith.cmpf olt, %sub3A_40, %min3A_29 : vector<4096x128xf32>
    %min3A_42 = arith.minimumf %sub3A_40, %min3A_29 : vector<4096x128xf32>
    %jit3A_43 = arith.constant 2 : i32
    %broadcast_in_dim3A_44 = vector.broadcast %jit3A_43 : i32 to vector<4096x128xi32>
    %select_n3A_45 = arith.select %lt3A_41, %broadcast_in_dim3A_44, %select_n3A_32 : vector<4096x128xi1>, vector<4096x128xi32>
    %slice3A_46 = vector.extract_strided_slice %dot_general3A_12 {offsets = [0, 384], sizes = [4096, 128], strides = [1, 1]} : vector<4096x2048xf32> to vector<4096x128xf32>
    %get3A_47 = arith.constant 3 : index
    %get3A_48 = arith.constant 0 : index
    %get3A_49 = vector.load %arg4[%get3A_47, %get3A_48] : memref<64x128xf32, #tpu.memory_space<vmem>>, vector<1x128xf32>
    %add3A_50 = vector.broadcast %broadcast_in_dim3A : vector<4096x1xf32> to vector<4096x128xf32>
    %add3A_51 = vector.broadcast %get3A_49 : vector<1x128xf32> to vector<4096x128xf32>
    %add3A_52 = arith.addf %add3A_50, %add3A_51 : vector<4096x128xf32>
    %sub3A_53 = arith.subf %add3A_52, %slice3A_46 : vector<4096x128xf32>
    %lt3A_54 = arith.cmpf olt, %sub3A_53, %min3A_42 : vector<4096x128xf32>
    %min3A_55 = arith.minimumf %sub3A_53, %min3A_42 : vector<4096x128xf32>
    %jit3A_56 = arith.constant 3 : i32
    %broadcast_in_dim3A_57 = vector.broadcast %jit3A_56 : i32 to vector<4096x128xi32>
    %select_n3A_58 = arith.select %lt3A_54, %broadcast_in_dim3A_57, %select_n3A_45 : vector<4096x128xi1>, vector<4096x128xi32>
    %slice3A_59 = vector.extract_strided_slice %dot_general3A_12 {offsets = [0, 512], sizes = [4096, 128], strides = [1, 1]} : vector<4096x2048xf32> to vector<4096x128xf32>
    %get3A_60 = arith.constant 4 : index
    %get3A_61 = arith.constant 0 : index
    %get3A_62 = vector.load %arg4[%get3A_60, %get3A_61] : memref<64x128xf32, #tpu.memory_space<vmem>>, vector<1x128xf32>
    %add3A_63 = vector.broadcast %broadcast_in_dim3A : vector<4096x1xf32> to vector<4096x128xf32>
    %add3A_64 = vector.broadcast %get3A_62 : vector<1x128xf32> to vector<4096x128xf32>
    %add3A_65 = arith.addf %add3A_63, %add3A_64 : vector<4096x128xf32>
    %sub3A_66 = arith.subf %add3A_65, %slice3A_59 : vector<4096x128xf32>
    %lt3A_67 = arith.cmpf olt, %sub3A_66, %min3A_55 : vector<4096x128xf32>
    %min3A_68 = arith.minimumf %sub3A_66, %min3A_55 : vector<4096x128xf32>
    %jit3A_69 = arith.constant 4 : i32
    %broadcast_in_dim3A_70 = vector.broadcast %jit3A_69 : i32 to vector<4096x128xi32>
    %select_n3A_71 = arith.select %lt3A_67, %broadcast_in_dim3A_70, %select_n3A_58 : vector<4096x128xi1>, vector<4096x128xi32>
    %slice3A_72 = vector.extract_strided_slice %dot_general3A_12 {offsets = [0, 640], sizes = [4096, 128], strides = [1, 1]} : vector<4096x2048xf32> to vector<4096x128xf32>
    %get3A_73 = arith.constant 5 : index
    %get3A_74 = arith.constant 0 : index
    %get3A_75 = vector.load %arg4[%get3A_73, %get3A_74] : memref<64x128xf32, #tpu.memory_space<vmem>>, vector<1x128xf32>
    %add3A_76 = vector.broadcast %broadcast_in_dim3A : vector<4096x1xf32> to vector<4096x128xf32>
    %add3A_77 = vector.broadcast %get3A_75 : vector<1x128xf32> to vector<4096x128xf32>
    %add3A_78 = arith.addf %add3A_76, %add3A_77 : vector<4096x128xf32>
    %sub3A_79 = arith.subf %add3A_78, %slice3A_72 : vector<4096x128xf32>
    %lt3A_80 = arith.cmpf olt, %sub3A_79, %min3A_68 : vector<4096x128xf32>
    %min3A_81 = arith.minimumf %sub3A_79, %min3A_68 : vector<4096x128xf32>
    %jit3A_82 = arith.constant 5 : i32
    %broadcast_in_dim3A_83 = vector.broadcast %jit3A_82 : i32 to vector<4096x128xi32>
    %select_n3A_84 = arith.select %lt3A_80, %broadcast_in_dim3A_83, %select_n3A_71 : vector<4096x128xi1>, vector<4096x128xi32>
    %slice3A_85 = vector.extract_strided_slice %dot_general3A_12 {offsets = [0, 768], sizes = [4096, 128], strides = [1, 1]} : vector<4096x2048xf32> to vector<4096x128xf32>
    %get3A_86 = arith.constant 6 : index
    %get3A_87 = arith.constant 0 : index
    %get3A_88 = vector.load %arg4[%get3A_86, %get3A_87] : memref<64x128xf32, #tpu.memory_space<vmem>>, vector<1x128xf32>
    %add3A_89 = vector.broadcast %broadcast_in_dim3A : vector<4096x1xf32> to vector<4096x128xf32>
    %add3A_90 = vector.broadcast %get3A_88 : vector<1x128xf32> to vector<4096x128xf32>
    %add3A_91 = arith.addf %add3A_89, %add3A_90 : vector<4096x128xf32>
    %sub3A_92 = arith.subf %add3A_91, %slice3A_85 : vector<4096x128xf32>
    %lt3A_93 = arith.cmpf olt, %sub3A_92, %min3A_81 : vector<4096x128xf32>
    %min3A_94 = arith.minimumf %sub3A_92, %min3A_81 : vector<4096x128xf32>
    %jit3A_95 = arith.constant 6 : i32
    %broadcast_in_dim3A_96 = vector.broadcast %jit3A_95 : i32 to vector<4096x128xi32>
    %select_n3A_97 = arith.select %lt3A_93, %broadcast_in_dim3A_96, %select_n3A_84 : vector<4096x128xi1>, vector<4096x128xi32>
    %slice3A_98 = vector.extract_strided_slice %dot_general3A_12 {offsets = [0, 896], sizes = [4096, 128], strides = [1, 1]} : vector<4096x2048xf32> to vector<4096x128xf32>
    %get3A_99 = arith.constant 7 : index
    %get3A_100 = arith.constant 0 : index
    %get3A_101 = vector.load %arg4[%get3A_99, %get3A_100] : memref<64x128xf32, #tpu.memory_space<vmem>>, vector<1x128xf32>
    %add3A_102 = vector.broadcast %broadcast_in_dim3A : vector<4096x1xf32> to vector<4096x128xf32>
    %add3A_103 = vector.broadcast %get3A_101 : vector<1x128xf32> to vector<4096x128xf32>
    %add3A_104 = arith.addf %add3A_102, %add3A_103 : vector<4096x128xf32>
    %sub3A_105 = arith.subf %add3A_104, %slice3A_98 : vector<4096x128xf32>
    %lt3A_106 = arith.cmpf olt, %sub3A_105, %min3A_94 : vector<4096x128xf32>
    %min3A_107 = arith.minimumf %sub3A_105, %min3A_94 : vector<4096x128xf32>
    %jit3A_108 = arith.constant 7 : i32
    %broadcast_in_dim3A_109 = vector.broadcast %jit3A_108 : i32 to vector<4096x128xi32>
    %select_n3A_110 = arith.select %lt3A_106, %broadcast_in_dim3A_109, %select_n3A_97 : vector<4096x128xi1>, vector<4096x128xi32>
    %slice3A_111 = vector.extract_strided_slice %dot_general3A_12 {offsets = [0, 1024], sizes = [4096, 128], strides = [1, 1]} : vector<4096x2048xf32> to vector<4096x128xf32>
    %get3A_112 = arith.constant 8 : index
    %get3A_113 = arith.constant 0 : index
    %get3A_114 = vector.load %arg4[%get3A_112, %get3A_113] : memref<64x128xf32, #tpu.memory_space<vmem>>, vector<1x128xf32>
    %add3A_115 = vector.broadcast %broadcast_in_dim3A : vector<4096x1xf32> to vector<4096x128xf32>
    %add3A_116 = vector.broadcast %get3A_114 : vector<1x128xf32> to vector<4096x128xf32>
    %add3A_117 = arith.addf %add3A_115, %add3A_116 : vector<4096x128xf32>
    %sub3A_118 = arith.subf %add3A_117, %slice3A_111 : vector<4096x128xf32>
    %lt3A_119 = arith.cmpf olt, %sub3A_118, %min3A_107 : vector<4096x128xf32>
    %min3A_120 = arith.minimumf %sub3A_118, %min3A_107 : vector<4096x128xf32>
    %jit3A_121 = arith.constant 8 : i32
    %broadcast_in_dim3A_122 = vector.broadcast %jit3A_121 : i32 to vector<4096x128xi32>
    %select_n3A_123 = arith.select %lt3A_119, %broadcast_in_dim3A_122, %select_n3A_110 : vector<4096x128xi1>, vector<4096x128xi32>
    %slice3A_124 = vector.extract_strided_slice %dot_general3A_12 {offsets = [0, 1152], sizes = [4096, 128], strides = [1, 1]} : vector<4096x2048xf32> to vector<4096x128xf32>
    %get3A_125 = arith.constant 9 : index
    %get3A_126 = arith.constant 0 : index
    %get3A_127 = vector.load %arg4[%get3A_125, %get3A_126] : memref<64x128xf32, #tpu.memory_space<vmem>>, vector<1x128xf32>
    %add3A_128 = vector.broadcast %broadcast_in_dim3A : vector<4096x1xf32> to vector<4096x128xf32>
    %add3A_129 = vector.broadcast %get3A_127 : vector<1x128xf32> to vector<4096x128xf32>
    %add3A_130 = arith.addf %add3A_128, %add3A_129 : vector<4096x128xf32>
    %sub3A_131 = arith.subf %add3A_130, %slice3A_124 : vector<4096x128xf32>
    %lt3A_132 = arith.cmpf olt, %sub3A_131, %min3A_120 : vector<4096x128xf32>
    %min3A_133 = arith.minimumf %sub3A_131, %min3A_120 : vector<4096x128xf32>
    %jit3A_134 = arith.constant 9 : i32
    %broadcast_in_dim3A_135 = vector.broadcast %jit3A_134 : i32 to vector<4096x128xi32>
    %select_n3A_136 = arith.select %lt3A_132, %broadcast_in_dim3A_135, %select_n3A_123 : vector<4096x128xi1>, vector<4096x128xi32>
    %slice3A_137 = vector.extract_strided_slice %dot_general3A_12 {offsets = [0, 1280], sizes = [4096, 128], strides = [1, 1]} : vector<4096x2048xf32> to vector<4096x128xf32>
    %get3A_138 = arith.constant 10 : index
    %get3A_139 = arith.constant 0 : index
    %get3A_140 = vector.load %arg4[%get3A_138, %get3A_139] : memref<64x128xf32, #tpu.memory_space<vmem>>, vector<1x128xf32>
    %add3A_141 = vector.broadcast %broadcast_in_dim3A : vector<4096x1xf32> to vector<4096x128xf32>
    %add3A_142 = vector.broadcast %get3A_140 : vector<1x128xf32> to vector<4096x128xf32>
    %add3A_143 = arith.addf %add3A_141, %add3A_142 : vector<4096x128xf32>
    %sub3A_144 = arith.subf %add3A_143, %slice3A_137 : vector<4096x128xf32>
    %lt3A_145 = arith.cmpf olt, %sub3A_144, %min3A_133 : vector<4096x128xf32>
    %min3A_146 = arith.minimumf %sub3A_144, %min3A_133 : vector<4096x128xf32>
    %jit3A_147 = arith.constant 10 : i32
    %broadcast_in_dim3A_148 = vector.broadcast %jit3A_147 : i32 to vector<4096x128xi32>
    %select_n3A_149 = arith.select %lt3A_145, %broadcast_in_dim3A_148, %select_n3A_136 : vector<4096x128xi1>, vector<4096x128xi32>
    %slice3A_150 = vector.extract_strided_slice %dot_general3A_12 {offsets = [0, 1408], sizes = [4096, 128], strides = [1, 1]} : vector<4096x2048xf32> to vector<4096x128xf32>
    %get3A_151 = arith.constant 11 : index
    %get3A_152 = arith.constant 0 : index
    %get3A_153 = vector.load %arg4[%get3A_151, %get3A_152] : memref<64x128xf32, #tpu.memory_space<vmem>>, vector<1x128xf32>
    %add3A_154 = vector.broadcast %broadcast_in_dim3A : vector<4096x1xf32> to vector<4096x128xf32>
    %add3A_155 = vector.broadcast %get3A_153 : vector<1x128xf32> to vector<4096x128xf32>
    %add3A_156 = arith.addf %add3A_154, %add3A_155 : vector<4096x128xf32>
    %sub3A_157 = arith.subf %add3A_156, %slice3A_150 : vector<4096x128xf32>
    %lt3A_158 = arith.cmpf olt, %sub3A_157, %min3A_146 : vector<4096x128xf32>
    %min3A_159 = arith.minimumf %sub3A_157, %min3A_146 : vector<4096x128xf32>
    %jit3A_160 = arith.constant 11 : i32
    %broadcast_in_dim3A_161 = vector.broadcast %jit3A_160 : i32 to vector<4096x128xi32>
    %select_n3A_162 = arith.select %lt3A_158, %broadcast_in_dim3A_161, %select_n3A_149 : vector<4096x128xi1>, vector<4096x128xi32>
    %slice3A_163 = vector.extract_strided_slice %dot_general3A_12 {offsets = [0, 1536], sizes = [4096, 128], strides = [1, 1]} : vector<4096x2048xf32> to vector<4096x128xf32>
    %get3A_164 = arith.constant 12 : index
    %get3A_165 = arith.constant 0 : index
    %get3A_166 = vector.load %arg4[%get3A_164, %get3A_165] : memref<64x128xf32, #tpu.memory_space<vmem>>, vector<1x128xf32>
    %add3A_167 = vector.broadcast %broadcast_in_dim3A : vector<4096x1xf32> to vector<4096x128xf32>
    %add3A_168 = vector.broadcast %get3A_166 : vector<1x128xf32> to vector<4096x128xf32>
    %add3A_169 = arith.addf %add3A_167, %add3A_168 : vector<4096x128xf32>
    %sub3A_170 = arith.subf %add3A_169, %slice3A_163 : vector<4096x128xf32>
    %lt3A_171 = arith.cmpf olt, %sub3A_170, %min3A_159 : vector<4096x128xf32>
    %min3A_172 = arith.minimumf %sub3A_170, %min3A_159 : vector<4096x128xf32>
    %jit3A_173 = arith.constant 12 : i32
    %broadcast_in_dim3A_174 = vector.broadcast %jit3A_173 : i32 to vector<4096x128xi32>
    %select_n3A_175 = arith.select %lt3A_171, %broadcast_in_dim3A_174, %select_n3A_162 : vector<4096x128xi1>, vector<4096x128xi32>
    %slice3A_176 = vector.extract_strided_slice %dot_general3A_12 {offsets = [0, 1664], sizes = [4096, 128], strides = [1, 1]} : vector<4096x2048xf32> to vector<4096x128xf32>
    %get3A_177 = arith.constant 13 : index
    %get3A_178 = arith.constant 0 : index
    %get3A_179 = vector.load %arg4[%get3A_177, %get3A_178] : memref<64x128xf32, #tpu.memory_space<vmem>>, vector<1x128xf32>
    %add3A_180 = vector.broadcast %broadcast_in_dim3A : vector<4096x1xf32> to vector<4096x128xf32>
    %add3A_181 = vector.broadcast %get3A_179 : vector<1x128xf32> to vector<4096x128xf32>
    %add3A_182 = arith.addf %add3A_180, %add3A_181 : vector<4096x128xf32>
    %sub3A_183 = arith.subf %add3A_182, %slice3A_176 : vector<4096x128xf32>
    %lt3A_184 = arith.cmpf olt, %sub3A_183, %min3A_172 : vector<4096x128xf32>
    %min3A_185 = arith.minimumf %sub3A_183, %min3A_172 : vector<4096x128xf32>
    %jit3A_186 = arith.constant 13 : i32
    %broadcast_in_dim3A_187 = vector.broadcast %jit3A_186 : i32 to vector<4096x128xi32>
    %select_n3A_188 = arith.select %lt3A_184, %broadcast_in_dim3A_187, %select_n3A_175 : vector<4096x128xi1>, vector<4096x128xi32>
    %slice3A_189 = vector.extract_strided_slice %dot_general3A_12 {offsets = [0, 1792], sizes = [4096, 128], strides = [1, 1]} : vector<4096x2048xf32> to vector<4096x128xf32>
    %get3A_190 = arith.constant 14 : index
    %get3A_191 = arith.constant 0 : index
    %get3A_192 = vector.load %arg4[%get3A_190, %get3A_191] : memref<64x128xf32, #tpu.memory_space<vmem>>, vector<1x128xf32>
    %add3A_193 = vector.broadcast %broadcast_in_dim3A : vector<4096x1xf32> to vector<4096x128xf32>
    %add3A_194 = vector.broadcast %get3A_192 : vector<1x128xf32> to vector<4096x128xf32>
    %add3A_195 = arith.addf %add3A_193, %add3A_194 : vector<4096x128xf32>
    %sub3A_196 = arith.subf %add3A_195, %slice3A_189 : vector<4096x128xf32>
    %lt3A_197 = arith.cmpf olt, %sub3A_196, %min3A_185 : vector<4096x128xf32>
    %min3A_198 = arith.minimumf %sub3A_196, %min3A_185 : vector<4096x128xf32>
    %jit3A_199 = arith.constant 14 : i32
    %broadcast_in_dim3A_200 = vector.broadcast %jit3A_199 : i32 to vector<4096x128xi32>
    %select_n3A_201 = arith.select %lt3A_197, %broadcast_in_dim3A_200, %select_n3A_188 : vector<4096x128xi1>, vector<4096x128xi32>
    %slice3A_202 = vector.extract_strided_slice %dot_general3A_12 {offsets = [0, 1920], sizes = [4096, 128], strides = [1, 1]} : vector<4096x2048xf32> to vector<4096x128xf32>
    %get3A_203 = arith.constant 15 : index
    %get3A_204 = arith.constant 0 : index
    %get3A_205 = vector.load %arg4[%get3A_203, %get3A_204] : memref<64x128xf32, #tpu.memory_space<vmem>>, vector<1x128xf32>
    %add3A_206 = vector.broadcast %broadcast_in_dim3A : vector<4096x1xf32> to vector<4096x128xf32>
    %add3A_207 = vector.broadcast %get3A_205 : vector<1x128xf32> to vector<4096x128xf32>
    %add3A_208 = arith.addf %add3A_206, %add3A_207 : vector<4096x128xf32>
    %sub3A_209 = arith.subf %add3A_208, %slice3A_202 : vector<4096x128xf32>
    %lt3A_210 = arith.cmpf olt, %sub3A_209, %min3A_198 : vector<4096x128xf32>
    %min3A_211 = arith.minimumf %sub3A_209, %min3A_198 : vector<4096x128xf32>
    %jit3A_212 = arith.constant 15 : i32
    %broadcast_in_dim3A_213 = vector.broadcast %jit3A_212 : i32 to vector<4096x128xi32>
    %select_n3A_214 = arith.select %lt3A_210, %broadcast_in_dim3A_213, %select_n3A_201 : vector<4096x128xi1>, vector<4096x128xi32>
    %get3A_215 = arith.constant 2048 : index
    %get3A_216 = arith.constant 0 : index
    %get3A_217 = vector.load %arg2[%get3A_215, %get3A_216] : memref<8192x32xf32, #tpu.memory_space<vmem>>, vector<2048x32xf32>
    %dot_general3A_218 = arith.constant dense<0.000000e+00> : vector<4096x2048xf32>
    %dot_general3A_219 = tpu.matmul %add3A, %get3A_217, %dot_general3A_218 {dimension_numbers = #tpu.dot_dimension_numbers<[1], [1], [0], [0], [0, 0, 1, 0], [], []>, transpose_lhs_hint = false} : vector<4096x32xf32>, vector<2048x32xf32>, vector<4096x2048xf32> -> vector<4096x2048xf32>
    %slice3A_220 = vector.extract_strided_slice %dot_general3A_219 {offsets = [0, 0], sizes = [4096, 128], strides = [1, 1]} : vector<4096x2048xf32> to vector<4096x128xf32>
    %get3A_221 = arith.constant 16 : index
    %get3A_222 = arith.constant 0 : index
    %get3A_223 = vector.load %arg4[%get3A_221, %get3A_222] : memref<64x128xf32, #tpu.memory_space<vmem>>, vector<1x128xf32>
    %add3A_224 = vector.broadcast %broadcast_in_dim3A : vector<4096x1xf32> to vector<4096x128xf32>
    %add3A_225 = vector.broadcast %get3A_223 : vector<1x128xf32> to vector<4096x128xf32>
    %add3A_226 = arith.addf %add3A_224, %add3A_225 : vector<4096x128xf32>
    %sub3A_227 = arith.subf %add3A_226, %slice3A_220 : vector<4096x128xf32>
    %lt3A_228 = arith.cmpf olt, %sub3A_227, %min3A_211 : vector<4096x128xf32>
    %min3A_229 = arith.minimumf %sub3A_227, %min3A_211 : vector<4096x128xf32>
    %jit3A_230 = arith.constant 16 : i32
    %broadcast_in_dim3A_231 = vector.broadcast %jit3A_230 : i32 to vector<4096x128xi32>
    %select_n3A_232 = arith.select %lt3A_228, %broadcast_in_dim3A_231, %select_n3A_214 : vector<4096x128xi1>, vector<4096x128xi32>
    %slice3A_233 = vector.extract_strided_slice %dot_general3A_219 {offsets = [0, 128], sizes = [4096, 128], strides = [1, 1]} : vector<4096x2048xf32> to vector<4096x128xf32>
    %get3A_234 = arith.constant 17 : index
    %get3A_235 = arith.constant 0 : index
    %get3A_236 = vector.load %arg4[%get3A_234, %get3A_235] : memref<64x128xf32, #tpu.memory_space<vmem>>, vector<1x128xf32>
    %add3A_237 = vector.broadcast %broadcast_in_dim3A : vector<4096x1xf32> to vector<4096x128xf32>
    %add3A_238 = vector.broadcast %get3A_236 : vector<1x128xf32> to vector<4096x128xf32>
    %add3A_239 = arith.addf %add3A_237, %add3A_238 : vector<4096x128xf32>
    %sub3A_240 = arith.subf %add3A_239, %slice3A_233 : vector<4096x128xf32>
    %lt3A_241 = arith.cmpf olt, %sub3A_240, %min3A_229 : vector<4096x128xf32>
    %min3A_242 = arith.minimumf %sub3A_240, %min3A_229 : vector<4096x128xf32>
    %jit3A_243 = arith.constant 17 : i32
    %broadcast_in_dim3A_244 = vector.broadcast %jit3A_243 : i32 to vector<4096x128xi32>
    %select_n3A_245 = arith.select %lt3A_241, %broadcast_in_dim3A_244, %select_n3A_232 : vector<4096x128xi1>, vector<4096x128xi32>
    %slice3A_246 = vector.extract_strided_slice %dot_general3A_219 {offsets = [0, 256], sizes = [4096, 128], strides = [1, 1]} : vector<4096x2048xf32> to vector<4096x128xf32>
    %get3A_247 = arith.constant 18 : index
    %get3A_248 = arith.constant 0 : index
    %get3A_249 = vector.load %arg4[%get3A_247, %get3A_248] : memref<64x128xf32, #tpu.memory_space<vmem>>, vector<1x128xf32>
    %add3A_250 = vector.broadcast %broadcast_in_dim3A : vector<4096x1xf32> to vector<4096x128xf32>
    %add3A_251 = vector.broadcast %get3A_249 : vector<1x128xf32> to vector<4096x128xf32>
    %add3A_252 = arith.addf %add3A_250, %add3A_251 : vector<4096x128xf32>
    %sub3A_253 = arith.subf %add3A_252, %slice3A_246 : vector<4096x128xf32>
    %lt3A_254 = arith.cmpf olt, %sub3A_253, %min3A_242 : vector<4096x128xf32>
    %min3A_255 = arith.minimumf %sub3A_253, %min3A_242 : vector<4096x128xf32>
    %jit3A_256 = arith.constant 18 : i32
    %broadcast_in_dim3A_257 = vector.broadcast %jit3A_256 : i32 to vector<4096x128xi32>
    %select_n3A_258 = arith.select %lt3A_254, %broadcast_in_dim3A_257, %select_n3A_245 : vector<4096x128xi1>, vector<4096x128xi32>
    %slice3A_259 = vector.extract_strided_slice %dot_general3A_219 {offsets = [0, 384], sizes = [4096, 128], strides = [1, 1]} : vector<4096x2048xf32> to vector<4096x128xf32>
    %get3A_260 = arith.constant 19 : index
    %get3A_261 = arith.constant 0 : index
    %get3A_262 = vector.load %arg4[%get3A_260, %get3A_261] : memref<64x128xf32, #tpu.memory_space<vmem>>, vector<1x128xf32>
    %add3A_263 = vector.broadcast %broadcast_in_dim3A : vector<4096x1xf32> to vector<4096x128xf32>
    %add3A_264 = vector.broadcast %get3A_262 : vector<1x128xf32> to vector<4096x128xf32>
    %add3A_265 = arith.addf %add3A_263, %add3A_264 : vector<4096x128xf32>
    %sub3A_266 = arith.subf %add3A_265, %slice3A_259 : vector<4096x128xf32>
    %lt3A_267 = arith.cmpf olt, %sub3A_266, %min3A_255 : vector<4096x128xf32>
    %min3A_268 = arith.minimumf %sub3A_266, %min3A_255 : vector<4096x128xf32>
    %jit3A_269 = arith.constant 19 : i32
    %broadcast_in_dim3A_270 = vector.broadcast %jit3A_269 : i32 to vector<4096x128xi32>
    %select_n3A_271 = arith.select %lt3A_267, %broadcast_in_dim3A_270, %select_n3A_258 : vector<4096x128xi1>, vector<4096x128xi32>
    %slice3A_272 = vector.extract_strided_slice %dot_general3A_219 {offsets = [0, 512], sizes = [4096, 128], strides = [1, 1]} : vector<4096x2048xf32> to vector<4096x128xf32>
    %get3A_273 = arith.constant 20 : index
    %get3A_274 = arith.constant 0 : index
    %get3A_275 = vector.load %arg4[%get3A_273, %get3A_274] : memref<64x128xf32, #tpu.memory_space<vmem>>, vector<1x128xf32>
    %add3A_276 = vector.broadcast %broadcast_in_dim3A : vector<4096x1xf32> to vector<4096x128xf32>
    %add3A_277 = vector.broadcast %get3A_275 : vector<1x128xf32> to vector<4096x128xf32>
    %add3A_278 = arith.addf %add3A_276, %add3A_277 : vector<4096x128xf32>
    %sub3A_279 = arith.subf %add3A_278, %slice3A_272 : vector<4096x128xf32>
    %lt3A_280 = arith.cmpf olt, %sub3A_279, %min3A_268 : vector<4096x128xf32>
    %min3A_281 = arith.minimumf %sub3A_279, %min3A_268 : vector<4096x128xf32>
    %jit3A_282 = arith.constant 20 : i32
    %broadcast_in_dim3A_283 = vector.broadcast %jit3A_282 : i32 to vector<4096x128xi32>
    %select_n3A_284 = arith.select %lt3A_280, %broadcast_in_dim3A_283, %select_n3A_271 : vector<4096x128xi1>, vector<4096x128xi32>
    %slice3A_285 = vector.extract_strided_slice %dot_general3A_219 {offsets = [0, 640], sizes = [4096, 128], strides = [1, 1]} : vector<4096x2048xf32> to vector<4096x128xf32>
    %get3A_286 = arith.constant 21 : index
    %get3A_287 = arith.constant 0 : index
    %get3A_288 = vector.load %arg4[%get3A_286, %get3A_287] : memref<64x128xf32, #tpu.memory_space<vmem>>, vector<1x128xf32>
    %add3A_289 = vector.broadcast %broadcast_in_dim3A : vector<4096x1xf32> to vector<4096x128xf32>
    %add3A_290 = vector.broadcast %get3A_288 : vector<1x128xf32> to vector<4096x128xf32>
    %add3A_291 = arith.addf %add3A_289, %add3A_290 : vector<4096x128xf32>
    %sub3A_292 = arith.subf %add3A_291, %slice3A_285 : vector<4096x128xf32>
    %lt3A_293 = arith.cmpf olt, %sub3A_292, %min3A_281 : vector<4096x128xf32>
    %min3A_294 = arith.minimumf %sub3A_292, %min3A_281 : vector<4096x128xf32>
    %jit3A_295 = arith.constant 21 : i32
    %broadcast_in_dim3A_296 = vector.broadcast %jit3A_295 : i32 to vector<4096x128xi32>
    %select_n3A_297 = arith.select %lt3A_293, %broadcast_in_dim3A_296, %select_n3A_284 : vector<4096x128xi1>, vector<4096x128xi32>
    %slice3A_298 = vector.extract_strided_slice %dot_general3A_219 {offsets = [0, 768], sizes = [4096, 128], strides = [1, 1]} : vector<4096x2048xf32> to vector<4096x128xf32>
    %get3A_299 = arith.constant 22 : index
    %get3A_300 = arith.constant 0 : index
    %get3A_301 = vector.load %arg4[%get3A_299, %get3A_300] : memref<64x128xf32, #tpu.memory_space<vmem>>, vector<1x128xf32>
    %add3A_302 = vector.broadcast %broadcast_in_dim3A : vector<4096x1xf32> to vector<4096x128xf32>
    %add3A_303 = vector.broadcast %get3A_301 : vector<1x128xf32> to vector<4096x128xf32>
    %add3A_304 = arith.addf %add3A_302, %add3A_303 : vector<4096x128xf32>
    %sub3A_305 = arith.subf %add3A_304, %slice3A_298 : vector<4096x128xf32>
    %lt3A_306 = arith.cmpf olt, %sub3A_305, %min3A_294 : vector<4096x128xf32>
    %min3A_307 = arith.minimumf %sub3A_305, %min3A_294 : vector<4096x128xf32>
    %jit3A_308 = arith.constant 22 : i32
    %broadcast_in_dim3A_309 = vector.broadcast %jit3A_308 : i32 to vector<4096x128xi32>
    %select_n3A_310 = arith.select %lt3A_306, %broadcast_in_dim3A_309, %select_n3A_297 : vector<4096x128xi1>, vector<4096x128xi32>
    %slice3A_311 = vector.extract_strided_slice %dot_general3A_219 {offsets = [0, 896], sizes = [4096, 128], strides = [1, 1]} : vector<4096x2048xf32> to vector<4096x128xf32>
    %get3A_312 = arith.constant 23 : index
    %get3A_313 = arith.constant 0 : index
    %get3A_314 = vector.load %arg4[%get3A_312, %get3A_313] : memref<64x128xf32, #tpu.memory_space<vmem>>, vector<1x128xf32>
    %add3A_315 = vector.broadcast %broadcast_in_dim3A : vector<4096x1xf32> to vector<4096x128xf32>
    %add3A_316 = vector.broadcast %get3A_314 : vector<1x128xf32> to vector<4096x128xf32>
    %add3A_317 = arith.addf %add3A_315, %add3A_316 : vector<4096x128xf32>
    %sub3A_318 = arith.subf %add3A_317, %slice3A_311 : vector<4096x128xf32>
    %lt3A_319 = arith.cmpf olt, %sub3A_318, %min3A_307 : vector<4096x128xf32>
    %min3A_320 = arith.minimumf %sub3A_318, %min3A_307 : vector<4096x128xf32>
    %jit3A_321 = arith.constant 23 : i32
    %broadcast_in_dim3A_322 = vector.broadcast %jit3A_321 : i32 to vector<4096x128xi32>
    %select_n3A_323 = arith.select %lt3A_319, %broadcast_in_dim3A_322, %select_n3A_310 : vector<4096x128xi1>, vector<4096x128xi32>
    %slice3A_324 = vector.extract_strided_slice %dot_general3A_219 {offsets = [0, 1024], sizes = [4096, 128], strides = [1, 1]} : vector<4096x2048xf32> to vector<4096x128xf32>
    %get3A_325 = arith.constant 24 : index
    %get3A_326 = arith.constant 0 : index
    %get3A_327 = vector.load %arg4[%get3A_325, %get3A_326] : memref<64x128xf32, #tpu.memory_space<vmem>>, vector<1x128xf32>
    %add3A_328 = vector.broadcast %broadcast_in_dim3A : vector<4096x1xf32> to vector<4096x128xf32>
    %add3A_329 = vector.broadcast %get3A_327 : vector<1x128xf32> to vector<4096x128xf32>
    %add3A_330 = arith.addf %add3A_328, %add3A_329 : vector<4096x128xf32>
    %sub3A_331 = arith.subf %add3A_330, %slice3A_324 : vector<4096x128xf32>
    %lt3A_332 = arith.cmpf olt, %sub3A_331, %min3A_320 : vector<4096x128xf32>
    %min3A_333 = arith.minimumf %sub3A_331, %min3A_320 : vector<4096x128xf32>
    %jit3A_334 = arith.constant 24 : i32
    %broadcast_in_dim3A_335 = vector.broadcast %jit3A_334 : i32 to vector<4096x128xi32>
    %select_n3A_336 = arith.select %lt3A_332, %broadcast_in_dim3A_335, %select_n3A_323 : vector<4096x128xi1>, vector<4096x128xi32>
    %slice3A_337 = vector.extract_strided_slice %dot_general3A_219 {offsets = [0, 1152], sizes = [4096, 128], strides = [1, 1]} : vector<4096x2048xf32> to vector<4096x128xf32>
    %get3A_338 = arith.constant 25 : index
    %get3A_339 = arith.constant 0 : index
    %get3A_340 = vector.load %arg4[%get3A_338, %get3A_339] : memref<64x128xf32, #tpu.memory_space<vmem>>, vector<1x128xf32>
    %add3A_341 = vector.broadcast %broadcast_in_dim3A : vector<4096x1xf32> to vector<4096x128xf32>
    %add3A_342 = vector.broadcast %get3A_340 : vector<1x128xf32> to vector<4096x128xf32>
    %add3A_343 = arith.addf %add3A_341, %add3A_342 : vector<4096x128xf32>
    %sub3A_344 = arith.subf %add3A_343, %slice3A_337 : vector<4096x128xf32>
    %lt3A_345 = arith.cmpf olt, %sub3A_344, %min3A_333 : vector<4096x128xf32>
    %min3A_346 = arith.minimumf %sub3A_344, %min3A_333 : vector<4096x128xf32>
    %jit3A_347 = arith.constant 25 : i32
    %broadcast_in_dim3A_348 = vector.broadcast %jit3A_347 : i32 to vector<4096x128xi32>
    %select_n3A_349 = arith.select %lt3A_345, %broadcast_in_dim3A_348, %select_n3A_336 : vector<4096x128xi1>, vector<4096x128xi32>
    %slice3A_350 = vector.extract_strided_slice %dot_general3A_219 {offsets = [0, 1280], sizes = [4096, 128], strides = [1, 1]} : vector<4096x2048xf32> to vector<4096x128xf32>
    %get3A_351 = arith.constant 26 : index
    %get3A_352 = arith.constant 0 : index
    %get3A_353 = vector.load %arg4[%get3A_351, %get3A_352] : memref<64x128xf32, #tpu.memory_space<vmem>>, vector<1x128xf32>
    %add3A_354 = vector.broadcast %broadcast_in_dim3A : vector<4096x1xf32> to vector<4096x128xf32>
    %add3A_355 = vector.broadcast %get3A_353 : vector<1x128xf32> to vector<4096x128xf32>
    %add3A_356 = arith.addf %add3A_354, %add3A_355 : vector<4096x128xf32>
    %sub3A_357 = arith.subf %add3A_356, %slice3A_350 : vector<4096x128xf32>
    %lt3A_358 = arith.cmpf olt, %sub3A_357, %min3A_346 : vector<4096x128xf32>
    %min3A_359 = arith.minimumf %sub3A_357, %min3A_346 : vector<4096x128xf32>
    %jit3A_360 = arith.constant 26 : i32
    %broadcast_in_dim3A_361 = vector.broadcast %jit3A_360 : i32 to vector<4096x128xi32>
    %select_n3A_362 = arith.select %lt3A_358, %broadcast_in_dim3A_361, %select_n3A_349 : vector<4096x128xi1>, vector<4096x128xi32>
    %slice3A_363 = vector.extract_strided_slice %dot_general3A_219 {offsets = [0, 1408], sizes = [4096, 128], strides = [1, 1]} : vector<4096x2048xf32> to vector<4096x128xf32>
    %get3A_364 = arith.constant 27 : index
    %get3A_365 = arith.constant 0 : index
    %get3A_366 = vector.load %arg4[%get3A_364, %get3A_365] : memref<64x128xf32, #tpu.memory_space<vmem>>, vector<1x128xf32>
    %add3A_367 = vector.broadcast %broadcast_in_dim3A : vector<4096x1xf32> to vector<4096x128xf32>
    %add3A_368 = vector.broadcast %get3A_366 : vector<1x128xf32> to vector<4096x128xf32>
    %add3A_369 = arith.addf %add3A_367, %add3A_368 : vector<4096x128xf32>
    %sub3A_370 = arith.subf %add3A_369, %slice3A_363 : vector<4096x128xf32>
    %lt3A_371 = arith.cmpf olt, %sub3A_370, %min3A_359 : vector<4096x128xf32>
    %min3A_372 = arith.minimumf %sub3A_370, %min3A_359 : vector<4096x128xf32>
    %jit3A_373 = arith.constant 27 : i32
    %broadcast_in_dim3A_374 = vector.broadcast %jit3A_373 : i32 to vector<4096x128xi32>
    %select_n3A_375 = arith.select %lt3A_371, %broadcast_in_dim3A_374, %select_n3A_362 : vector<4096x128xi1>, vector<4096x128xi32>
    %slice3A_376 = vector.extract_strided_slice %dot_general3A_219 {offsets = [0, 1536], sizes = [4096, 128], strides = [1, 1]} : vector<4096x2048xf32> to vector<4096x128xf32>
    %get3A_377 = arith.constant 28 : index
    %get3A_378 = arith.constant 0 : index
    %get3A_379 = vector.load %arg4[%get3A_377, %get3A_378] : memref<64x128xf32, #tpu.memory_space<vmem>>, vector<1x128xf32>
    %add3A_380 = vector.broadcast %broadcast_in_dim3A : vector<4096x1xf32> to vector<4096x128xf32>
    %add3A_381 = vector.broadcast %get3A_379 : vector<1x128xf32> to vector<4096x128xf32>
    %add3A_382 = arith.addf %add3A_380, %add3A_381 : vector<4096x128xf32>
    %sub3A_383 = arith.subf %add3A_382, %slice3A_376 : vector<4096x128xf32>
    %lt3A_384 = arith.cmpf olt, %sub3A_383, %min3A_372 : vector<4096x128xf32>
    %min3A_385 = arith.minimumf %sub3A_383, %min3A_372 : vector<4096x128xf32>
    %jit3A_386 = arith.constant 28 : i32
    %broadcast_in_dim3A_387 = vector.broadcast %jit3A_386 : i32 to vector<4096x128xi32>
    %select_n3A_388 = arith.select %lt3A_384, %broadcast_in_dim3A_387, %select_n3A_375 : vector<4096x128xi1>, vector<4096x128xi32>
    %slice3A_389 = vector.extract_strided_slice %dot_general3A_219 {offsets = [0, 1664], sizes = [4096, 128], strides = [1, 1]} : vector<4096x2048xf32> to vector<4096x128xf32>
    %get3A_390 = arith.constant 29 : index
    %get3A_391 = arith.constant 0 : index
    %get3A_392 = vector.load %arg4[%get3A_390, %get3A_391] : memref<64x128xf32, #tpu.memory_space<vmem>>, vector<1x128xf32>
    %add3A_393 = vector.broadcast %broadcast_in_dim3A : vector<4096x1xf32> to vector<4096x128xf32>
    %add3A_394 = vector.broadcast %get3A_392 : vector<1x128xf32> to vector<4096x128xf32>
    %add3A_395 = arith.addf %add3A_393, %add3A_394 : vector<4096x128xf32>
    %sub3A_396 = arith.subf %add3A_395, %slice3A_389 : vector<4096x128xf32>
    %lt3A_397 = arith.cmpf olt, %sub3A_396, %min3A_385 : vector<4096x128xf32>
    %min3A_398 = arith.minimumf %sub3A_396, %min3A_385 : vector<4096x128xf32>
    %jit3A_399 = arith.constant 29 : i32
    %broadcast_in_dim3A_400 = vector.broadcast %jit3A_399 : i32 to vector<4096x128xi32>
    %select_n3A_401 = arith.select %lt3A_397, %broadcast_in_dim3A_400, %select_n3A_388 : vector<4096x128xi1>, vector<4096x128xi32>
    %slice3A_402 = vector.extract_strided_slice %dot_general3A_219 {offsets = [0, 1792], sizes = [4096, 128], strides = [1, 1]} : vector<4096x2048xf32> to vector<4096x128xf32>
    %get3A_403 = arith.constant 30 : index
    %get3A_404 = arith.constant 0 : index
    %get3A_405 = vector.load %arg4[%get3A_403, %get3A_404] : memref<64x128xf32, #tpu.memory_space<vmem>>, vector<1x128xf32>
    %add3A_406 = vector.broadcast %broadcast_in_dim3A : vector<4096x1xf32> to vector<4096x128xf32>
    %add3A_407 = vector.broadcast %get3A_405 : vector<1x128xf32> to vector<4096x128xf32>
    %add3A_408 = arith.addf %add3A_406, %add3A_407 : vector<4096x128xf32>
    %sub3A_409 = arith.subf %add3A_408, %slice3A_402 : vector<4096x128xf32>
    %lt3A_410 = arith.cmpf olt, %sub3A_409, %min3A_398 : vector<4096x128xf32>
    %min3A_411 = arith.minimumf %sub3A_409, %min3A_398 : vector<4096x128xf32>
    %jit3A_412 = arith.constant 30 : i32
    %broadcast_in_dim3A_413 = vector.broadcast %jit3A_412 : i32 to vector<4096x128xi32>
    %select_n3A_414 = arith.select %lt3A_410, %broadcast_in_dim3A_413, %select_n3A_401 : vector<4096x128xi1>, vector<4096x128xi32>
    %slice3A_415 = vector.extract_strided_slice %dot_general3A_219 {offsets = [0, 1920], sizes = [4096, 128], strides = [1, 1]} : vector<4096x2048xf32> to vector<4096x128xf32>
    %get3A_416 = arith.constant 31 : index
    %get3A_417 = arith.constant 0 : index
    %get3A_418 = vector.load %arg4[%get3A_416, %get3A_417] : memref<64x128xf32, #tpu.memory_space<vmem>>, vector<1x128xf32>
    %add3A_419 = vector.broadcast %broadcast_in_dim3A : vector<4096x1xf32> to vector<4096x128xf32>
    %add3A_420 = vector.broadcast %get3A_418 : vector<1x128xf32> to vector<4096x128xf32>
    %add3A_421 = arith.addf %add3A_419, %add3A_420 : vector<4096x128xf32>
    %sub3A_422 = arith.subf %add3A_421, %slice3A_415 : vector<4096x128xf32>
    %lt3A_423 = arith.cmpf olt, %sub3A_422, %min3A_411 : vector<4096x128xf32>
    %min3A_424 = arith.minimumf %sub3A_422, %min3A_411 : vector<4096x128xf32>
    %jit3A_425 = arith.constant 31 : i32
    %broadcast_in_dim3A_426 = vector.broadcast %jit3A_425 : i32 to vector<4096x128xi32>
    %select_n3A_427 = arith.select %lt3A_423, %broadcast_in_dim3A_426, %select_n3A_414 : vector<4096x128xi1>, vector<4096x128xi32>
    %get3A_428 = arith.constant 4096 : index
    %get3A_429 = arith.constant 0 : index
    %get3A_430 = vector.load %arg2[%get3A_428, %get3A_429] : memref<8192x32xf32, #tpu.memory_space<vmem>>, vector<2048x32xf32>
    %dot_general3A_431 = arith.constant dense<0.000000e+00> : vector<4096x2048xf32>
    %dot_general3A_432 = tpu.matmul %add3A, %get3A_430, %dot_general3A_431 {dimension_numbers = #tpu.dot_dimension_numbers<[1], [1], [0], [0], [0, 0, 1, 0], [], []>, transpose_lhs_hint = false} : vector<4096x32xf32>, vector<2048x32xf32>, vector<4096x2048xf32> -> vector<4096x2048xf32>
    %slice3A_433 = vector.extract_strided_slice %dot_general3A_432 {offsets = [0, 0], sizes = [4096, 128], strides = [1, 1]} : vector<4096x2048xf32> to vector<4096x128xf32>
    %get3A_434 = arith.constant 32 : index
    %get3A_435 = arith.constant 0 : index
    %get3A_436 = vector.load %arg4[%get3A_434, %get3A_435] : memref<64x128xf32, #tpu.memory_space<vmem>>, vector<1x128xf32>
    %add3A_437 = vector.broadcast %broadcast_in_dim3A : vector<4096x1xf32> to vector<4096x128xf32>
    %add3A_438 = vector.broadcast %get3A_436 : vector<1x128xf32> to vector<4096x128xf32>
    %add3A_439 = arith.addf %add3A_437, %add3A_438 : vector<4096x128xf32>
    %sub3A_440 = arith.subf %add3A_439, %slice3A_433 : vector<4096x128xf32>
    %lt3A_441 = arith.cmpf olt, %sub3A_440, %min3A_424 : vector<4096x128xf32>
    %min3A_442 = arith.minimumf %sub3A_440, %min3A_424 : vector<4096x128xf32>
    %jit3A_443 = arith.constant 32 : i32
    %broadcast_in_dim3A_444 = vector.broadcast %jit3A_443 : i32 to vector<4096x128xi32>
    %select_n3A_445 = arith.select %lt3A_441, %broadcast_in_dim3A_444, %select_n3A_427 : vector<4096x128xi1>, vector<4096x128xi32>
    %slice3A_446 = vector.extract_strided_slice %dot_general3A_432 {offsets = [0, 128], sizes = [4096, 128], strides = [1, 1]} : vector<4096x2048xf32> to vector<4096x128xf32>
    %get3A_447 = arith.constant 33 : index
    %get3A_448 = arith.constant 0 : index
    %get3A_449 = vector.load %arg4[%get3A_447, %get3A_448] : memref<64x128xf32, #tpu.memory_space<vmem>>, vector<1x128xf32>
    %add3A_450 = vector.broadcast %broadcast_in_dim3A : vector<4096x1xf32> to vector<4096x128xf32>
    %add3A_451 = vector.broadcast %get3A_449 : vector<1x128xf32> to vector<4096x128xf32>
    %add3A_452 = arith.addf %add3A_450, %add3A_451 : vector<4096x128xf32>
    %sub3A_453 = arith.subf %add3A_452, %slice3A_446 : vector<4096x128xf32>
    %lt3A_454 = arith.cmpf olt, %sub3A_453, %min3A_442 : vector<4096x128xf32>
    %min3A_455 = arith.minimumf %sub3A_453, %min3A_442 : vector<4096x128xf32>
    %jit3A_456 = arith.constant 33 : i32
    %broadcast_in_dim3A_457 = vector.broadcast %jit3A_456 : i32 to vector<4096x128xi32>
    %select_n3A_458 = arith.select %lt3A_454, %broadcast_in_dim3A_457, %select_n3A_445 : vector<4096x128xi1>, vector<4096x128xi32>
    %slice3A_459 = vector.extract_strided_slice %dot_general3A_432 {offsets = [0, 256], sizes = [4096, 128], strides = [1, 1]} : vector<4096x2048xf32> to vector<4096x128xf32>
    %get3A_460 = arith.constant 34 : index
    %get3A_461 = arith.constant 0 : index
    %get3A_462 = vector.load %arg4[%get3A_460, %get3A_461] : memref<64x128xf32, #tpu.memory_space<vmem>>, vector<1x128xf32>
    %add3A_463 = vector.broadcast %broadcast_in_dim3A : vector<4096x1xf32> to vector<4096x128xf32>
    %add3A_464 = vector.broadcast %get3A_462 : vector<1x128xf32> to vector<4096x128xf32>
    %add3A_465 = arith.addf %add3A_463, %add3A_464 : vector<4096x128xf32>
    %sub3A_466 = arith.subf %add3A_465, %slice3A_459 : vector<4096x128xf32>
    %lt3A_467 = arith.cmpf olt, %sub3A_466, %min3A_455 : vector<4096x128xf32>
    %min3A_468 = arith.minimumf %sub3A_466, %min3A_455 : vector<4096x128xf32>
    %jit3A_469 = arith.constant 34 : i32
    %broadcast_in_dim3A_470 = vector.broadcast %jit3A_469 : i32 to vector<4096x128xi32>
    %select_n3A_471 = arith.select %lt3A_467, %broadcast_in_dim3A_470, %select_n3A_458 : vector<4096x128xi1>, vector<4096x128xi32>
    %slice3A_472 = vector.extract_strided_slice %dot_general3A_432 {offsets = [0, 384], sizes = [4096, 128], strides = [1, 1]} : vector<4096x2048xf32> to vector<4096x128xf32>
    %get3A_473 = arith.constant 35 : index
    %get3A_474 = arith.constant 0 : index
    %get3A_475 = vector.load %arg4[%get3A_473, %get3A_474] : memref<64x128xf32, #tpu.memory_space<vmem>>, vector<1x128xf32>
    %add3A_476 = vector.broadcast %broadcast_in_dim3A : vector<4096x1xf32> to vector<4096x128xf32>
    %add3A_477 = vector.broadcast %get3A_475 : vector<1x128xf32> to vector<4096x128xf32>
    %add3A_478 = arith.addf %add3A_476, %add3A_477 : vector<4096x128xf32>
    %sub3A_479 = arith.subf %add3A_478, %slice3A_472 : vector<4096x128xf32>
    %lt3A_480 = arith.cmpf olt, %sub3A_479, %min3A_468 : vector<4096x128xf32>
    %min3A_481 = arith.minimumf %sub3A_479, %min3A_468 : vector<4096x128xf32>
    %jit3A_482 = arith.constant 35 : i32
    %broadcast_in_dim3A_483 = vector.broadcast %jit3A_482 : i32 to vector<4096x128xi32>
    %select_n3A_484 = arith.select %lt3A_480, %broadcast_in_dim3A_483, %select_n3A_471 : vector<4096x128xi1>, vector<4096x128xi32>
    %slice3A_485 = vector.extract_strided_slice %dot_general3A_432 {offsets = [0, 512], sizes = [4096, 128], strides = [1, 1]} : vector<4096x2048xf32> to vector<4096x128xf32>
    %get3A_486 = arith.constant 36 : index
    %get3A_487 = arith.constant 0 : index
    %get3A_488 = vector.load %arg4[%get3A_486, %get3A_487] : memref<64x128xf32, #tpu.memory_space<vmem>>, vector<1x128xf32>
    %add3A_489 = vector.broadcast %broadcast_in_dim3A : vector<4096x1xf32> to vector<4096x128xf32>
    %add3A_490 = vector.broadcast %get3A_488 : vector<1x128xf32> to vector<4096x128xf32>
    %add3A_491 = arith.addf %add3A_489, %add3A_490 : vector<4096x128xf32>
    %sub3A_492 = arith.subf %add3A_491, %slice3A_485 : vector<4096x128xf32>
    %lt3A_493 = arith.cmpf olt, %sub3A_492, %min3A_481 : vector<4096x128xf32>
    %min3A_494 = arith.minimumf %sub3A_492, %min3A_481 : vector<4096x128xf32>
    %jit3A_495 = arith.constant 36 : i32
    %broadcast_in_dim3A_496 = vector.broadcast %jit3A_495 : i32 to vector<4096x128xi32>
    %select_n3A_497 = arith.select %lt3A_493, %broadcast_in_dim3A_496, %select_n3A_484 : vector<4096x128xi1>, vector<4096x128xi32>
    %slice3A_498 = vector.extract_strided_slice %dot_general3A_432 {offsets = [0, 640], sizes = [4096, 128], strides = [1, 1]} : vector<4096x2048xf32> to vector<4096x128xf32>
    %get3A_499 = arith.constant 37 : index
    %get3A_500 = arith.constant 0 : index
    %get3A_501 = vector.load %arg4[%get3A_499, %get3A_500] : memref<64x128xf32, #tpu.memory_space<vmem>>, vector<1x128xf32>
    %add3A_502 = vector.broadcast %broadcast_in_dim3A : vector<4096x1xf32> to vector<4096x128xf32>
    %add3A_503 = vector.broadcast %get3A_501 : vector<1x128xf32> to vector<4096x128xf32>
    %add3A_504 = arith.addf %add3A_502, %add3A_503 : vector<4096x128xf32>
    %sub3A_505 = arith.subf %add3A_504, %slice3A_498 : vector<4096x128xf32>
    %lt3A_506 = arith.cmpf olt, %sub3A_505, %min3A_494 : vector<4096x128xf32>
    %min3A_507 = arith.minimumf %sub3A_505, %min3A_494 : vector<4096x128xf32>
    %jit3A_508 = arith.constant 37 : i32
    %broadcast_in_dim3A_509 = vector.broadcast %jit3A_508 : i32 to vector<4096x128xi32>
    %select_n3A_510 = arith.select %lt3A_506, %broadcast_in_dim3A_509, %select_n3A_497 : vector<4096x128xi1>, vector<4096x128xi32>
    %slice3A_511 = vector.extract_strided_slice %dot_general3A_432 {offsets = [0, 768], sizes = [4096, 128], strides = [1, 1]} : vector<4096x2048xf32> to vector<4096x128xf32>
    %get3A_512 = arith.constant 38 : index
    %get3A_513 = arith.constant 0 : index
    %get3A_514 = vector.load %arg4[%get3A_512, %get3A_513] : memref<64x128xf32, #tpu.memory_space<vmem>>, vector<1x128xf32>
    %add3A_515 = vector.broadcast %broadcast_in_dim3A : vector<4096x1xf32> to vector<4096x128xf32>
    %add3A_516 = vector.broadcast %get3A_514 : vector<1x128xf32> to vector<4096x128xf32>
    %add3A_517 = arith.addf %add3A_515, %add3A_516 : vector<4096x128xf32>
    %sub3A_518 = arith.subf %add3A_517, %slice3A_511 : vector<4096x128xf32>
    %lt3A_519 = arith.cmpf olt, %sub3A_518, %min3A_507 : vector<4096x128xf32>
    %min3A_520 = arith.minimumf %sub3A_518, %min3A_507 : vector<4096x128xf32>
    %jit3A_521 = arith.constant 38 : i32
    %broadcast_in_dim3A_522 = vector.broadcast %jit3A_521 : i32 to vector<4096x128xi32>
    %select_n3A_523 = arith.select %lt3A_519, %broadcast_in_dim3A_522, %select_n3A_510 : vector<4096x128xi1>, vector<4096x128xi32>
    %slice3A_524 = vector.extract_strided_slice %dot_general3A_432 {offsets = [0, 896], sizes = [4096, 128], strides = [1, 1]} : vector<4096x2048xf32> to vector<4096x128xf32>
    %get3A_525 = arith.constant 39 : index
    %get3A_526 = arith.constant 0 : index
    %get3A_527 = vector.load %arg4[%get3A_525, %get3A_526] : memref<64x128xf32, #tpu.memory_space<vmem>>, vector<1x128xf32>
    %add3A_528 = vector.broadcast %broadcast_in_dim3A : vector<4096x1xf32> to vector<4096x128xf32>
    %add3A_529 = vector.broadcast %get3A_527 : vector<1x128xf32> to vector<4096x128xf32>
    %add3A_530 = arith.addf %add3A_528, %add3A_529 : vector<4096x128xf32>
    %sub3A_531 = arith.subf %add3A_530, %slice3A_524 : vector<4096x128xf32>
    %lt3A_532 = arith.cmpf olt, %sub3A_531, %min3A_520 : vector<4096x128xf32>
    %min3A_533 = arith.minimumf %sub3A_531, %min3A_520 : vector<4096x128xf32>
    %jit3A_534 = arith.constant 39 : i32
    %broadcast_in_dim3A_535 = vector.broadcast %jit3A_534 : i32 to vector<4096x128xi32>
    %select_n3A_536 = arith.select %lt3A_532, %broadcast_in_dim3A_535, %select_n3A_523 : vector<4096x128xi1>, vector<4096x128xi32>
    %slice3A_537 = vector.extract_strided_slice %dot_general3A_432 {offsets = [0, 1024], sizes = [4096, 128], strides = [1, 1]} : vector<4096x2048xf32> to vector<4096x128xf32>
    %get3A_538 = arith.constant 40 : index
    %get3A_539 = arith.constant 0 : index
    %get3A_540 = vector.load %arg4[%get3A_538, %get3A_539] : memref<64x128xf32, #tpu.memory_space<vmem>>, vector<1x128xf32>
    %add3A_541 = vector.broadcast %broadcast_in_dim3A : vector<4096x1xf32> to vector<4096x128xf32>
    %add3A_542 = vector.broadcast %get3A_540 : vector<1x128xf32> to vector<4096x128xf32>
    %add3A_543 = arith.addf %add3A_541, %add3A_542 : vector<4096x128xf32>
    %sub3A_544 = arith.subf %add3A_543, %slice3A_537 : vector<4096x128xf32>
    %lt3A_545 = arith.cmpf olt, %sub3A_544, %min3A_533 : vector<4096x128xf32>
    %min3A_546 = arith.minimumf %sub3A_544, %min3A_533 : vector<4096x128xf32>
    %jit3A_547 = arith.constant 40 : i32
    %broadcast_in_dim3A_548 = vector.broadcast %jit3A_547 : i32 to vector<4096x128xi32>
    %select_n3A_549 = arith.select %lt3A_545, %broadcast_in_dim3A_548, %select_n3A_536 : vector<4096x128xi1>, vector<4096x128xi32>
    %slice3A_550 = vector.extract_strided_slice %dot_general3A_432 {offsets = [0, 1152], sizes = [4096, 128], strides = [1, 1]} : vector<4096x2048xf32> to vector<4096x128xf32>
    %get3A_551 = arith.constant 41 : index
    %get3A_552 = arith.constant 0 : index
    %get3A_553 = vector.load %arg4[%get3A_551, %get3A_552] : memref<64x128xf32, #tpu.memory_space<vmem>>, vector<1x128xf32>
    %add3A_554 = vector.broadcast %broadcast_in_dim3A : vector<4096x1xf32> to vector<4096x128xf32>
    %add3A_555 = vector.broadcast %get3A_553 : vector<1x128xf32> to vector<4096x128xf32>
    %add3A_556 = arith.addf %add3A_554, %add3A_555 : vector<4096x128xf32>
    %sub3A_557 = arith.subf %add3A_556, %slice3A_550 : vector<4096x128xf32>
    %lt3A_558 = arith.cmpf olt, %sub3A_557, %min3A_546 : vector<4096x128xf32>
    %min3A_559 = arith.minimumf %sub3A_557, %min3A_546 : vector<4096x128xf32>
    %jit3A_560 = arith.constant 41 : i32
    %broadcast_in_dim3A_561 = vector.broadcast %jit3A_560 : i32 to vector<4096x128xi32>
    %select_n3A_562 = arith.select %lt3A_558, %broadcast_in_dim3A_561, %select_n3A_549 : vector<4096x128xi1>, vector<4096x128xi32>
    %slice3A_563 = vector.extract_strided_slice %dot_general3A_432 {offsets = [0, 1280], sizes = [4096, 128], strides = [1, 1]} : vector<4096x2048xf32> to vector<4096x128xf32>
    %get3A_564 = arith.constant 42 : index
    %get3A_565 = arith.constant 0 : index
    %get3A_566 = vector.load %arg4[%get3A_564, %get3A_565] : memref<64x128xf32, #tpu.memory_space<vmem>>, vector<1x128xf32>
    %add3A_567 = vector.broadcast %broadcast_in_dim3A : vector<4096x1xf32> to vector<4096x128xf32>
    %add3A_568 = vector.broadcast %get3A_566 : vector<1x128xf32> to vector<4096x128xf32>
    %add3A_569 = arith.addf %add3A_567, %add3A_568 : vector<4096x128xf32>
    %sub3A_570 = arith.subf %add3A_569, %slice3A_563 : vector<4096x128xf32>
    %lt3A_571 = arith.cmpf olt, %sub3A_570, %min3A_559 : vector<4096x128xf32>
    %min3A_572 = arith.minimumf %sub3A_570, %min3A_559 : vector<4096x128xf32>
    %jit3A_573 = arith.constant 42 : i32
    %broadcast_in_dim3A_574 = vector.broadcast %jit3A_573 : i32 to vector<4096x128xi32>
    %select_n3A_575 = arith.select %lt3A_571, %broadcast_in_dim3A_574, %select_n3A_562 : vector<4096x128xi1>, vector<4096x128xi32>
    %slice3A_576 = vector.extract_strided_slice %dot_general3A_432 {offsets = [0, 1408], sizes = [4096, 128], strides = [1, 1]} : vector<4096x2048xf32> to vector<4096x128xf32>
    %get3A_577 = arith.constant 43 : index
    %get3A_578 = arith.constant 0 : index
    %get3A_579 = vector.load %arg4[%get3A_577, %get3A_578] : memref<64x128xf32, #tpu.memory_space<vmem>>, vector<1x128xf32>
    %add3A_580 = vector.broadcast %broadcast_in_dim3A : vector<4096x1xf32> to vector<4096x128xf32>
    %add3A_581 = vector.broadcast %get3A_579 : vector<1x128xf32> to vector<4096x128xf32>
    %add3A_582 = arith.addf %add3A_580, %add3A_581 : vector<4096x128xf32>
    %sub3A_583 = arith.subf %add3A_582, %slice3A_576 : vector<4096x128xf32>
    %lt3A_584 = arith.cmpf olt, %sub3A_583, %min3A_572 : vector<4096x128xf32>
    %min3A_585 = arith.minimumf %sub3A_583, %min3A_572 : vector<4096x128xf32>
    %jit3A_586 = arith.constant 43 : i32
    %broadcast_in_dim3A_587 = vector.broadcast %jit3A_586 : i32 to vector<4096x128xi32>
    %select_n3A_588 = arith.select %lt3A_584, %broadcast_in_dim3A_587, %select_n3A_575 : vector<4096x128xi1>, vector<4096x128xi32>
    %slice3A_589 = vector.extract_strided_slice %dot_general3A_432 {offsets = [0, 1536], sizes = [4096, 128], strides = [1, 1]} : vector<4096x2048xf32> to vector<4096x128xf32>
    %get3A_590 = arith.constant 44 : index
    %get3A_591 = arith.constant 0 : index
    %get3A_592 = vector.load %arg4[%get3A_590, %get3A_591] : memref<64x128xf32, #tpu.memory_space<vmem>>, vector<1x128xf32>
    %add3A_593 = vector.broadcast %broadcast_in_dim3A : vector<4096x1xf32> to vector<4096x128xf32>
    %add3A_594 = vector.broadcast %get3A_592 : vector<1x128xf32> to vector<4096x128xf32>
    %add3A_595 = arith.addf %add3A_593, %add3A_594 : vector<4096x128xf32>
    %sub3A_596 = arith.subf %add3A_595, %slice3A_589 : vector<4096x128xf32>
    %lt3A_597 = arith.cmpf olt, %sub3A_596, %min3A_585 : vector<4096x128xf32>
    %min3A_598 = arith.minimumf %sub3A_596, %min3A_585 : vector<4096x128xf32>
    %jit3A_599 = arith.constant 44 : i32
    %broadcast_in_dim3A_600 = vector.broadcast %jit3A_599 : i32 to vector<4096x128xi32>
    %select_n3A_601 = arith.select %lt3A_597, %broadcast_in_dim3A_600, %select_n3A_588 : vector<4096x128xi1>, vector<4096x128xi32>
    %slice3A_602 = vector.extract_strided_slice %dot_general3A_432 {offsets = [0, 1664], sizes = [4096, 128], strides = [1, 1]} : vector<4096x2048xf32> to vector<4096x128xf32>
    %get3A_603 = arith.constant 45 : index
    %get3A_604 = arith.constant 0 : index
    %get3A_605 = vector.load %arg4[%get3A_603, %get3A_604] : memref<64x128xf32, #tpu.memory_space<vmem>>, vector<1x128xf32>
    %add3A_606 = vector.broadcast %broadcast_in_dim3A : vector<4096x1xf32> to vector<4096x128xf32>
    %add3A_607 = vector.broadcast %get3A_605 : vector<1x128xf32> to vector<4096x128xf32>
    %add3A_608 = arith.addf %add3A_606, %add3A_607 : vector<4096x128xf32>
    %sub3A_609 = arith.subf %add3A_608, %slice3A_602 : vector<4096x128xf32>
    %lt3A_610 = arith.cmpf olt, %sub3A_609, %min3A_598 : vector<4096x128xf32>
    %min3A_611 = arith.minimumf %sub3A_609, %min3A_598 : vector<4096x128xf32>
    %jit3A_612 = arith.constant 45 : i32
    %broadcast_in_dim3A_613 = vector.broadcast %jit3A_612 : i32 to vector<4096x128xi32>
    %select_n3A_614 = arith.select %lt3A_610, %broadcast_in_dim3A_613, %select_n3A_601 : vector<4096x128xi1>, vector<4096x128xi32>
    %slice3A_615 = vector.extract_strided_slice %dot_general3A_432 {offsets = [0, 1792], sizes = [4096, 128], strides = [1, 1]} : vector<4096x2048xf32> to vector<4096x128xf32>
    %get3A_616 = arith.constant 46 : index
    %get3A_617 = arith.constant 0 : index
    %get3A_618 = vector.load %arg4[%get3A_616, %get3A_617] : memref<64x128xf32, #tpu.memory_space<vmem>>, vector<1x128xf32>
    %add3A_619 = vector.broadcast %broadcast_in_dim3A : vector<4096x1xf32> to vector<4096x128xf32>
    %add3A_620 = vector.broadcast %get3A_618 : vector<1x128xf32> to vector<4096x128xf32>
    %add3A_621 = arith.addf %add3A_619, %add3A_620 : vector<4096x128xf32>
    %sub3A_622 = arith.subf %add3A_621, %slice3A_615 : vector<4096x128xf32>
    %lt3A_623 = arith.cmpf olt, %sub3A_622, %min3A_611 : vector<4096x128xf32>
    %min3A_624 = arith.minimumf %sub3A_622, %min3A_611 : vector<4096x128xf32>
    %jit3A_625 = arith.constant 46 : i32
    %broadcast_in_dim3A_626 = vector.broadcast %jit3A_625 : i32 to vector<4096x128xi32>
    %select_n3A_627 = arith.select %lt3A_623, %broadcast_in_dim3A_626, %select_n3A_614 : vector<4096x128xi1>, vector<4096x128xi32>
    %slice3A_628 = vector.extract_strided_slice %dot_general3A_432 {offsets = [0, 1920], sizes = [4096, 128], strides = [1, 1]} : vector<4096x2048xf32> to vector<4096x128xf32>
    %get3A_629 = arith.constant 47 : index
    %get3A_630 = arith.constant 0 : index
    %get3A_631 = vector.load %arg4[%get3A_629, %get3A_630] : memref<64x128xf32, #tpu.memory_space<vmem>>, vector<1x128xf32>
    %add3A_632 = vector.broadcast %broadcast_in_dim3A : vector<4096x1xf32> to vector<4096x128xf32>
    %add3A_633 = vector.broadcast %get3A_631 : vector<1x128xf32> to vector<4096x128xf32>
    %add3A_634 = arith.addf %add3A_632, %add3A_633 : vector<4096x128xf32>
    %sub3A_635 = arith.subf %add3A_634, %slice3A_628 : vector<4096x128xf32>
    %lt3A_636 = arith.cmpf olt, %sub3A_635, %min3A_624 : vector<4096x128xf32>
    %min3A_637 = arith.minimumf %sub3A_635, %min3A_624 : vector<4096x128xf32>
    %jit3A_638 = arith.constant 47 : i32
    %broadcast_in_dim3A_639 = vector.broadcast %jit3A_638 : i32 to vector<4096x128xi32>
    %select_n3A_640 = arith.select %lt3A_636, %broadcast_in_dim3A_639, %select_n3A_627 : vector<4096x128xi1>, vector<4096x128xi32>
    %get3A_641 = arith.constant 6144 : index
    %get3A_642 = arith.constant 0 : index
    %get3A_643 = vector.load %arg2[%get3A_641, %get3A_642] : memref<8192x32xf32, #tpu.memory_space<vmem>>, vector<2048x32xf32>
    %dot_general3A_644 = arith.constant dense<0.000000e+00> : vector<4096x2048xf32>
    %dot_general3A_645 = tpu.matmul %add3A, %get3A_643, %dot_general3A_644 {dimension_numbers = #tpu.dot_dimension_numbers<[1], [1], [0], [0], [0, 0, 1, 0], [], []>, transpose_lhs_hint = false} : vector<4096x32xf32>, vector<2048x32xf32>, vector<4096x2048xf32> -> vector<4096x2048xf32>
    %slice3A_646 = vector.extract_strided_slice %dot_general3A_645 {offsets = [0, 0], sizes = [4096, 128], strides = [1, 1]} : vector<4096x2048xf32> to vector<4096x128xf32>
    %get3A_647 = arith.constant 48 : index
    %get3A_648 = arith.constant 0 : index
    %get3A_649 = vector.load %arg4[%get3A_647, %get3A_648] : memref<64x128xf32, #tpu.memory_space<vmem>>, vector<1x128xf32>
    %add3A_650 = vector.broadcast %broadcast_in_dim3A : vector<4096x1xf32> to vector<4096x128xf32>
    %add3A_651 = vector.broadcast %get3A_649 : vector<1x128xf32> to vector<4096x128xf32>
    %add3A_652 = arith.addf %add3A_650, %add3A_651 : vector<4096x128xf32>
    %sub3A_653 = arith.subf %add3A_652, %slice3A_646 : vector<4096x128xf32>
    %lt3A_654 = arith.cmpf olt, %sub3A_653, %min3A_637 : vector<4096x128xf32>
    %min3A_655 = arith.minimumf %sub3A_653, %min3A_637 : vector<4096x128xf32>
    %jit3A_656 = arith.constant 48 : i32
    %broadcast_in_dim3A_657 = vector.broadcast %jit3A_656 : i32 to vector<4096x128xi32>
    %select_n3A_658 = arith.select %lt3A_654, %broadcast_in_dim3A_657, %select_n3A_640 : vector<4096x128xi1>, vector<4096x128xi32>
    %slice3A_659 = vector.extract_strided_slice %dot_general3A_645 {offsets = [0, 128], sizes = [4096, 128], strides = [1, 1]} : vector<4096x2048xf32> to vector<4096x128xf32>
    %get3A_660 = arith.constant 49 : index
    %get3A_661 = arith.constant 0 : index
    %get3A_662 = vector.load %arg4[%get3A_660, %get3A_661] : memref<64x128xf32, #tpu.memory_space<vmem>>, vector<1x128xf32>
    %add3A_663 = vector.broadcast %broadcast_in_dim3A : vector<4096x1xf32> to vector<4096x128xf32>
    %add3A_664 = vector.broadcast %get3A_662 : vector<1x128xf32> to vector<4096x128xf32>
    %add3A_665 = arith.addf %add3A_663, %add3A_664 : vector<4096x128xf32>
    %sub3A_666 = arith.subf %add3A_665, %slice3A_659 : vector<4096x128xf32>
    %lt3A_667 = arith.cmpf olt, %sub3A_666, %min3A_655 : vector<4096x128xf32>
    %min3A_668 = arith.minimumf %sub3A_666, %min3A_655 : vector<4096x128xf32>
    %jit3A_669 = arith.constant 49 : i32
    %broadcast_in_dim3A_670 = vector.broadcast %jit3A_669 : i32 to vector<4096x128xi32>
    %select_n3A_671 = arith.select %lt3A_667, %broadcast_in_dim3A_670, %select_n3A_658 : vector<4096x128xi1>, vector<4096x128xi32>
    %slice3A_672 = vector.extract_strided_slice %dot_general3A_645 {offsets = [0, 256], sizes = [4096, 128], strides = [1, 1]} : vector<4096x2048xf32> to vector<4096x128xf32>
    %get3A_673 = arith.constant 50 : index
    %get3A_674 = arith.constant 0 : index
    %get3A_675 = vector.load %arg4[%get3A_673, %get3A_674] : memref<64x128xf32, #tpu.memory_space<vmem>>, vector<1x128xf32>
    %add3A_676 = vector.broadcast %broadcast_in_dim3A : vector<4096x1xf32> to vector<4096x128xf32>
    %add3A_677 = vector.broadcast %get3A_675 : vector<1x128xf32> to vector<4096x128xf32>
    %add3A_678 = arith.addf %add3A_676, %add3A_677 : vector<4096x128xf32>
    %sub3A_679 = arith.subf %add3A_678, %slice3A_672 : vector<4096x128xf32>
    %lt3A_680 = arith.cmpf olt, %sub3A_679, %min3A_668 : vector<4096x128xf32>
    %min3A_681 = arith.minimumf %sub3A_679, %min3A_668 : vector<4096x128xf32>
    %jit3A_682 = arith.constant 50 : i32
    %broadcast_in_dim3A_683 = vector.broadcast %jit3A_682 : i32 to vector<4096x128xi32>
    %select_n3A_684 = arith.select %lt3A_680, %broadcast_in_dim3A_683, %select_n3A_671 : vector<4096x128xi1>, vector<4096x128xi32>
    %slice3A_685 = vector.extract_strided_slice %dot_general3A_645 {offsets = [0, 384], sizes = [4096, 128], strides = [1, 1]} : vector<4096x2048xf32> to vector<4096x128xf32>
    %get3A_686 = arith.constant 51 : index
    %get3A_687 = arith.constant 0 : index
    %get3A_688 = vector.load %arg4[%get3A_686, %get3A_687] : memref<64x128xf32, #tpu.memory_space<vmem>>, vector<1x128xf32>
    %add3A_689 = vector.broadcast %broadcast_in_dim3A : vector<4096x1xf32> to vector<4096x128xf32>
    %add3A_690 = vector.broadcast %get3A_688 : vector<1x128xf32> to vector<4096x128xf32>
    %add3A_691 = arith.addf %add3A_689, %add3A_690 : vector<4096x128xf32>
    %sub3A_692 = arith.subf %add3A_691, %slice3A_685 : vector<4096x128xf32>
    %lt3A_693 = arith.cmpf olt, %sub3A_692, %min3A_681 : vector<4096x128xf32>
    %min3A_694 = arith.minimumf %sub3A_692, %min3A_681 : vector<4096x128xf32>
    %jit3A_695 = arith.constant 51 : i32
    %broadcast_in_dim3A_696 = vector.broadcast %jit3A_695 : i32 to vector<4096x128xi32>
    %select_n3A_697 = arith.select %lt3A_693, %broadcast_in_dim3A_696, %select_n3A_684 : vector<4096x128xi1>, vector<4096x128xi32>
    %slice3A_698 = vector.extract_strided_slice %dot_general3A_645 {offsets = [0, 512], sizes = [4096, 128], strides = [1, 1]} : vector<4096x2048xf32> to vector<4096x128xf32>
    %get3A_699 = arith.constant 52 : index
    %get3A_700 = arith.constant 0 : index
    %get3A_701 = vector.load %arg4[%get3A_699, %get3A_700] : memref<64x128xf32, #tpu.memory_space<vmem>>, vector<1x128xf32>
    %add3A_702 = vector.broadcast %broadcast_in_dim3A : vector<4096x1xf32> to vector<4096x128xf32>
    %add3A_703 = vector.broadcast %get3A_701 : vector<1x128xf32> to vector<4096x128xf32>
    %add3A_704 = arith.addf %add3A_702, %add3A_703 : vector<4096x128xf32>
    %sub3A_705 = arith.subf %add3A_704, %slice3A_698 : vector<4096x128xf32>
    %lt3A_706 = arith.cmpf olt, %sub3A_705, %min3A_694 : vector<4096x128xf32>
    %min3A_707 = arith.minimumf %sub3A_705, %min3A_694 : vector<4096x128xf32>
    %jit3A_708 = arith.constant 52 : i32
    %broadcast_in_dim3A_709 = vector.broadcast %jit3A_708 : i32 to vector<4096x128xi32>
    %select_n3A_710 = arith.select %lt3A_706, %broadcast_in_dim3A_709, %select_n3A_697 : vector<4096x128xi1>, vector<4096x128xi32>
    %slice3A_711 = vector.extract_strided_slice %dot_general3A_645 {offsets = [0, 640], sizes = [4096, 128], strides = [1, 1]} : vector<4096x2048xf32> to vector<4096x128xf32>
    %get3A_712 = arith.constant 53 : index
    %get3A_713 = arith.constant 0 : index
    %get3A_714 = vector.load %arg4[%get3A_712, %get3A_713] : memref<64x128xf32, #tpu.memory_space<vmem>>, vector<1x128xf32>
    %add3A_715 = vector.broadcast %broadcast_in_dim3A : vector<4096x1xf32> to vector<4096x128xf32>
    %add3A_716 = vector.broadcast %get3A_714 : vector<1x128xf32> to vector<4096x128xf32>
    %add3A_717 = arith.addf %add3A_715, %add3A_716 : vector<4096x128xf32>
    %sub3A_718 = arith.subf %add3A_717, %slice3A_711 : vector<4096x128xf32>
    %lt3A_719 = arith.cmpf olt, %sub3A_718, %min3A_707 : vector<4096x128xf32>
    %min3A_720 = arith.minimumf %sub3A_718, %min3A_707 : vector<4096x128xf32>
    %jit3A_721 = arith.constant 53 : i32
    %broadcast_in_dim3A_722 = vector.broadcast %jit3A_721 : i32 to vector<4096x128xi32>
    %select_n3A_723 = arith.select %lt3A_719, %broadcast_in_dim3A_722, %select_n3A_710 : vector<4096x128xi1>, vector<4096x128xi32>
    %slice3A_724 = vector.extract_strided_slice %dot_general3A_645 {offsets = [0, 768], sizes = [4096, 128], strides = [1, 1]} : vector<4096x2048xf32> to vector<4096x128xf32>
    %get3A_725 = arith.constant 54 : index
    %get3A_726 = arith.constant 0 : index
    %get3A_727 = vector.load %arg4[%get3A_725, %get3A_726] : memref<64x128xf32, #tpu.memory_space<vmem>>, vector<1x128xf32>
    %add3A_728 = vector.broadcast %broadcast_in_dim3A : vector<4096x1xf32> to vector<4096x128xf32>
    %add3A_729 = vector.broadcast %get3A_727 : vector<1x128xf32> to vector<4096x128xf32>
    %add3A_730 = arith.addf %add3A_728, %add3A_729 : vector<4096x128xf32>
    %sub3A_731 = arith.subf %add3A_730, %slice3A_724 : vector<4096x128xf32>
    %lt3A_732 = arith.cmpf olt, %sub3A_731, %min3A_720 : vector<4096x128xf32>
    %min3A_733 = arith.minimumf %sub3A_731, %min3A_720 : vector<4096x128xf32>
    %jit3A_734 = arith.constant 54 : i32
    %broadcast_in_dim3A_735 = vector.broadcast %jit3A_734 : i32 to vector<4096x128xi32>
    %select_n3A_736 = arith.select %lt3A_732, %broadcast_in_dim3A_735, %select_n3A_723 : vector<4096x128xi1>, vector<4096x128xi32>
    %slice3A_737 = vector.extract_strided_slice %dot_general3A_645 {offsets = [0, 896], sizes = [4096, 128], strides = [1, 1]} : vector<4096x2048xf32> to vector<4096x128xf32>
    %get3A_738 = arith.constant 55 : index
    %get3A_739 = arith.constant 0 : index
    %get3A_740 = vector.load %arg4[%get3A_738, %get3A_739] : memref<64x128xf32, #tpu.memory_space<vmem>>, vector<1x128xf32>
    %add3A_741 = vector.broadcast %broadcast_in_dim3A : vector<4096x1xf32> to vector<4096x128xf32>
    %add3A_742 = vector.broadcast %get3A_740 : vector<1x128xf32> to vector<4096x128xf32>
    %add3A_743 = arith.addf %add3A_741, %add3A_742 : vector<4096x128xf32>
    %sub3A_744 = arith.subf %add3A_743, %slice3A_737 : vector<4096x128xf32>
    %lt3A_745 = arith.cmpf olt, %sub3A_744, %min3A_733 : vector<4096x128xf32>
    %min3A_746 = arith.minimumf %sub3A_744, %min3A_733 : vector<4096x128xf32>
    %jit3A_747 = arith.constant 55 : i32
    %broadcast_in_dim3A_748 = vector.broadcast %jit3A_747 : i32 to vector<4096x128xi32>
    %select_n3A_749 = arith.select %lt3A_745, %broadcast_in_dim3A_748, %select_n3A_736 : vector<4096x128xi1>, vector<4096x128xi32>
    %slice3A_750 = vector.extract_strided_slice %dot_general3A_645 {offsets = [0, 1024], sizes = [4096, 128], strides = [1, 1]} : vector<4096x2048xf32> to vector<4096x128xf32>
    %get3A_751 = arith.constant 56 : index
    %get3A_752 = arith.constant 0 : index
    %get3A_753 = vector.load %arg4[%get3A_751, %get3A_752] : memref<64x128xf32, #tpu.memory_space<vmem>>, vector<1x128xf32>
    %add3A_754 = vector.broadcast %broadcast_in_dim3A : vector<4096x1xf32> to vector<4096x128xf32>
    %add3A_755 = vector.broadcast %get3A_753 : vector<1x128xf32> to vector<4096x128xf32>
    %add3A_756 = arith.addf %add3A_754, %add3A_755 : vector<4096x128xf32>
    %sub3A_757 = arith.subf %add3A_756, %slice3A_750 : vector<4096x128xf32>
    %lt3A_758 = arith.cmpf olt, %sub3A_757, %min3A_746 : vector<4096x128xf32>
    %min3A_759 = arith.minimumf %sub3A_757, %min3A_746 : vector<4096x128xf32>
    %jit3A_760 = arith.constant 56 : i32
    %broadcast_in_dim3A_761 = vector.broadcast %jit3A_760 : i32 to vector<4096x128xi32>
    %select_n3A_762 = arith.select %lt3A_758, %broadcast_in_dim3A_761, %select_n3A_749 : vector<4096x128xi1>, vector<4096x128xi32>
    %slice3A_763 = vector.extract_strided_slice %dot_general3A_645 {offsets = [0, 1152], sizes = [4096, 128], strides = [1, 1]} : vector<4096x2048xf32> to vector<4096x128xf32>
    %get3A_764 = arith.constant 57 : index
    %get3A_765 = arith.constant 0 : index
    %get3A_766 = vector.load %arg4[%get3A_764, %get3A_765] : memref<64x128xf32, #tpu.memory_space<vmem>>, vector<1x128xf32>
    %add3A_767 = vector.broadcast %broadcast_in_dim3A : vector<4096x1xf32> to vector<4096x128xf32>
    %add3A_768 = vector.broadcast %get3A_766 : vector<1x128xf32> to vector<4096x128xf32>
    %add3A_769 = arith.addf %add3A_767, %add3A_768 : vector<4096x128xf32>
    %sub3A_770 = arith.subf %add3A_769, %slice3A_763 : vector<4096x128xf32>
    %lt3A_771 = arith.cmpf olt, %sub3A_770, %min3A_759 : vector<4096x128xf32>
    %min3A_772 = arith.minimumf %sub3A_770, %min3A_759 : vector<4096x128xf32>
    %jit3A_773 = arith.constant 57 : i32
    %broadcast_in_dim3A_774 = vector.broadcast %jit3A_773 : i32 to vector<4096x128xi32>
    %select_n3A_775 = arith.select %lt3A_771, %broadcast_in_dim3A_774, %select_n3A_762 : vector<4096x128xi1>, vector<4096x128xi32>
    %slice3A_776 = vector.extract_strided_slice %dot_general3A_645 {offsets = [0, 1280], sizes = [4096, 128], strides = [1, 1]} : vector<4096x2048xf32> to vector<4096x128xf32>
    %get3A_777 = arith.constant 58 : index
    %get3A_778 = arith.constant 0 : index
    %get3A_779 = vector.load %arg4[%get3A_777, %get3A_778] : memref<64x128xf32, #tpu.memory_space<vmem>>, vector<1x128xf32>
    %add3A_780 = vector.broadcast %broadcast_in_dim3A : vector<4096x1xf32> to vector<4096x128xf32>
    %add3A_781 = vector.broadcast %get3A_779 : vector<1x128xf32> to vector<4096x128xf32>
    %add3A_782 = arith.addf %add3A_780, %add3A_781 : vector<4096x128xf32>
    %sub3A_783 = arith.subf %add3A_782, %slice3A_776 : vector<4096x128xf32>
    %lt3A_784 = arith.cmpf olt, %sub3A_783, %min3A_772 : vector<4096x128xf32>
    %min3A_785 = arith.minimumf %sub3A_783, %min3A_772 : vector<4096x128xf32>
    %jit3A_786 = arith.constant 58 : i32
    %broadcast_in_dim3A_787 = vector.broadcast %jit3A_786 : i32 to vector<4096x128xi32>
    %select_n3A_788 = arith.select %lt3A_784, %broadcast_in_dim3A_787, %select_n3A_775 : vector<4096x128xi1>, vector<4096x128xi32>
    %slice3A_789 = vector.extract_strided_slice %dot_general3A_645 {offsets = [0, 1408], sizes = [4096, 128], strides = [1, 1]} : vector<4096x2048xf32> to vector<4096x128xf32>
    %get3A_790 = arith.constant 59 : index
    %get3A_791 = arith.constant 0 : index
    %get3A_792 = vector.load %arg4[%get3A_790, %get3A_791] : memref<64x128xf32, #tpu.memory_space<vmem>>, vector<1x128xf32>
    %add3A_793 = vector.broadcast %broadcast_in_dim3A : vector<4096x1xf32> to vector<4096x128xf32>
    %add3A_794 = vector.broadcast %get3A_792 : vector<1x128xf32> to vector<4096x128xf32>
    %add3A_795 = arith.addf %add3A_793, %add3A_794 : vector<4096x128xf32>
    %sub3A_796 = arith.subf %add3A_795, %slice3A_789 : vector<4096x128xf32>
    %lt3A_797 = arith.cmpf olt, %sub3A_796, %min3A_785 : vector<4096x128xf32>
    %min3A_798 = arith.minimumf %sub3A_796, %min3A_785 : vector<4096x128xf32>
    %jit3A_799 = arith.constant 59 : i32
    %broadcast_in_dim3A_800 = vector.broadcast %jit3A_799 : i32 to vector<4096x128xi32>
    %select_n3A_801 = arith.select %lt3A_797, %broadcast_in_dim3A_800, %select_n3A_788 : vector<4096x128xi1>, vector<4096x128xi32>
    %slice3A_802 = vector.extract_strided_slice %dot_general3A_645 {offsets = [0, 1536], sizes = [4096, 128], strides = [1, 1]} : vector<4096x2048xf32> to vector<4096x128xf32>
    %get3A_803 = arith.constant 60 : index
    %get3A_804 = arith.constant 0 : index
    %get3A_805 = vector.load %arg4[%get3A_803, %get3A_804] : memref<64x128xf32, #tpu.memory_space<vmem>>, vector<1x128xf32>
    %add3A_806 = vector.broadcast %broadcast_in_dim3A : vector<4096x1xf32> to vector<4096x128xf32>
    %add3A_807 = vector.broadcast %get3A_805 : vector<1x128xf32> to vector<4096x128xf32>
    %add3A_808 = arith.addf %add3A_806, %add3A_807 : vector<4096x128xf32>
    %sub3A_809 = arith.subf %add3A_808, %slice3A_802 : vector<4096x128xf32>
    %lt3A_810 = arith.cmpf olt, %sub3A_809, %min3A_798 : vector<4096x128xf32>
    %min3A_811 = arith.minimumf %sub3A_809, %min3A_798 : vector<4096x128xf32>
    %jit3A_812 = arith.constant 60 : i32
    %broadcast_in_dim3A_813 = vector.broadcast %jit3A_812 : i32 to vector<4096x128xi32>
    %select_n3A_814 = arith.select %lt3A_810, %broadcast_in_dim3A_813, %select_n3A_801 : vector<4096x128xi1>, vector<4096x128xi32>
    %slice3A_815 = vector.extract_strided_slice %dot_general3A_645 {offsets = [0, 1664], sizes = [4096, 128], strides = [1, 1]} : vector<4096x2048xf32> to vector<4096x128xf32>
    %get3A_816 = arith.constant 61 : index
    %get3A_817 = arith.constant 0 : index
    %get3A_818 = vector.load %arg4[%get3A_816, %get3A_817] : memref<64x128xf32, #tpu.memory_space<vmem>>, vector<1x128xf32>
    %add3A_819 = vector.broadcast %broadcast_in_dim3A : vector<4096x1xf32> to vector<4096x128xf32>
    %add3A_820 = vector.broadcast %get3A_818 : vector<1x128xf32> to vector<4096x128xf32>
    %add3A_821 = arith.addf %add3A_819, %add3A_820 : vector<4096x128xf32>
    %sub3A_822 = arith.subf %add3A_821, %slice3A_815 : vector<4096x128xf32>
    %lt3A_823 = arith.cmpf olt, %sub3A_822, %min3A_811 : vector<4096x128xf32>
    %min3A_824 = arith.minimumf %sub3A_822, %min3A_811 : vector<4096x128xf32>
    %jit3A_825 = arith.constant 61 : i32
    %broadcast_in_dim3A_826 = vector.broadcast %jit3A_825 : i32 to vector<4096x128xi32>
    %select_n3A_827 = arith.select %lt3A_823, %broadcast_in_dim3A_826, %select_n3A_814 : vector<4096x128xi1>, vector<4096x128xi32>
    %slice3A_828 = vector.extract_strided_slice %dot_general3A_645 {offsets = [0, 1792], sizes = [4096, 128], strides = [1, 1]} : vector<4096x2048xf32> to vector<4096x128xf32>
    %get3A_829 = arith.constant 62 : index
    %get3A_830 = arith.constant 0 : index
    %get3A_831 = vector.load %arg4[%get3A_829, %get3A_830] : memref<64x128xf32, #tpu.memory_space<vmem>>, vector<1x128xf32>
    %add3A_832 = vector.broadcast %broadcast_in_dim3A : vector<4096x1xf32> to vector<4096x128xf32>
    %add3A_833 = vector.broadcast %get3A_831 : vector<1x128xf32> to vector<4096x128xf32>
    %add3A_834 = arith.addf %add3A_832, %add3A_833 : vector<4096x128xf32>
    %sub3A_835 = arith.subf %add3A_834, %slice3A_828 : vector<4096x128xf32>
    %lt3A_836 = arith.cmpf olt, %sub3A_835, %min3A_824 : vector<4096x128xf32>
    %min3A_837 = arith.minimumf %sub3A_835, %min3A_824 : vector<4096x128xf32>
    %jit3A_838 = arith.constant 62 : i32
    %broadcast_in_dim3A_839 = vector.broadcast %jit3A_838 : i32 to vector<4096x128xi32>
    %select_n3A_840 = arith.select %lt3A_836, %broadcast_in_dim3A_839, %select_n3A_827 : vector<4096x128xi1>, vector<4096x128xi32>
    %slice3A_841 = vector.extract_strided_slice %dot_general3A_645 {offsets = [0, 1920], sizes = [4096, 128], strides = [1, 1]} : vector<4096x2048xf32> to vector<4096x128xf32>
    %get3A_842 = arith.constant 63 : index
    %get3A_843 = arith.constant 0 : index
    %get3A_844 = vector.load %arg4[%get3A_842, %get3A_843] : memref<64x128xf32, #tpu.memory_space<vmem>>, vector<1x128xf32>
    %add3A_845 = vector.broadcast %broadcast_in_dim3A : vector<4096x1xf32> to vector<4096x128xf32>
    %add3A_846 = vector.broadcast %get3A_844 : vector<1x128xf32> to vector<4096x128xf32>
    %add3A_847 = arith.addf %add3A_845, %add3A_846 : vector<4096x128xf32>
    %sub3A_848 = arith.subf %add3A_847, %slice3A_841 : vector<4096x128xf32>
    %lt3A_849 = arith.cmpf olt, %sub3A_848, %min3A_837 : vector<4096x128xf32>
    %min3A_850 = arith.minimumf %sub3A_848, %min3A_837 : vector<4096x128xf32>
    %jit3A_851 = arith.constant 63 : i32
    %broadcast_in_dim3A_852 = vector.broadcast %jit3A_851 : i32 to vector<4096x128xi32>
    %select_n3A_853 = arith.select %lt3A_849, %broadcast_in_dim3A_852, %select_n3A_840 : vector<4096x128xi1>, vector<4096x128xi32>
    %reduce_min3A = arith.constant dense<0x7F800000> : vector<4096xf32>
    %reduce_min3A_854 = vector.multi_reduction <minimumf>, %min3A_850, %reduce_min3A [1] : vector<4096x128xf32> to vector<4096xf32>
    %broadcast_in_dim3A_855 = vector.shape_cast %reduce_min3A_854 : vector<4096xf32> to vector<4096x1xf32>
    %iota3A = tpu.iota {dimensions = array<i32: 1>} : vector<4096x128xi32>
    %mul3A_856 = arith.constant 128 : i32
    %mul3A_857 = vector.broadcast %mul3A_856 : i32 to vector<4096x128xi32>
    %mul3A_858 = arith.muli %select_n3A_853, %mul3A_857 : vector<4096x128xi32>
    %add3A_859 = arith.addi %mul3A_858, %iota3A : vector<4096x128xi32>
    %eq3A_860 = vector.broadcast %broadcast_in_dim3A_855 : vector<4096x1xf32> to vector<4096x128xf32>
    %eq3A_861 = arith.cmpf oeq, %min3A_850, %eq3A_860 : vector<4096x128xf32>
    %jit3A_862 = arith.constant 1073741824 : i32
    %broadcast_in_dim3A_863 = vector.broadcast %jit3A_862 : i32 to vector<4096x128xi32>
    %select_n3A_864 = arith.select %eq3A_861, %add3A_859, %broadcast_in_dim3A_863 : vector<4096x128xi1>, vector<4096x128xi32>
    %reduce_min3A_865 = arith.constant dense<2147483647> : vector<4096xi32>
    %reduce_min3A_866 = vector.multi_reduction <minsi>, %select_n3A_864, %reduce_min3A_865 [1] : vector<4096x128xi32> to vector<4096xi32>
    %reshape3A = vector.shape_cast %reduce_min3A_866 : vector<4096xi32> to vector<1x1x4096xi32>
    %swap3A = arith.constant 0 : index
    %swap3A_867 = arith.constant 0 : index
    %swap3A_868 = arith.constant 0 : index
    %swap3A_869 = vector.load %arg3[%swap3A, %swap3A_867, %swap3A_868] : memref<1x1x4096xi32, #tpu.memory_space<vmem>>, vector<1x1x4096xi32>
    tpu.vector_store %arg3[%swap3A, %swap3A_867, %swap3A_868], %reshape3A {strides = array<i32>} : memref<1x1x4096xi32, #tpu.memory_space<vmem>>, vector<1x1x4096xi32>,
    return
  }
  func.func @transform_0(%arg0: i32) -> (i32, i32) {
    %c0_i32 = arith.constant 0 : i32
    %c0_i32_0 = arith.constant 0 : i32
    return %arg0, %c0_i32 : i32, i32
  }
  func.func @transform_1(%arg0: i32) -> (i32, i32) {
    %c0_i32 = arith.constant 0 : i32
    %c0_i32_0 = arith.constant 0 : i32
    %c0_i32_1 = arith.constant 0 : i32
    return %c0_i32, %c0_i32_0 : i32, i32
  }
  func.func @transform_2(%arg0: i32) -> (i32, i32, i32) {
    %c0_i32 = arith.constant 0 : i32
    %c0_i32_0 = arith.constant 0 : i32
    %c0_i32_1 = arith.constant 0 : i32
    return %arg0, %c0_i32, %c0_i32_0 : i32, i32, i32
  }
}

</mosaic_0001>

<sc_bundles>
// kernel: kernel.4.cloned.1.call-start
scs
__scs_entry_jumppad:
0x0: {  	(pc) =	sbr.rel $0x88, $3  }
0x1: {  	(tag) =	ssettag $0x0;
	lr =	simm.s32 $0x1  }
0x2: {  	[smem:$0x3F9F] =	sst lr;
	_ =	strace $0xD0000000  }
0x3: {  	_ = 	snop  }
0x4: {  	_ = 	snop  }
0x5: {  	_ = 	snop  }
0x6: {  	_ = 	snop  }
0x7: {  	_ = 	snop  }
__scs_overlays_trampoline_lowered:
0x8: {  	[smem:$0x3FAE] =	sst s0  }
0x9: {  	[smem:$0x3FAF] =	sst s1  }
0xa: {  	[smem:$0x3FB0] =	sst s2  }
0xb: {  	[smem:$0x3FB1] =	sst s3  }
0xc: {  	[smem:$0x3FB2] =	sst s4  }
0xd: {  	[smem:$0x3FB3] =	sst s5  }
0xe: {  	[smem:$0x3FB4] =	sst s6  }
0xf: {  	[smem:$0x3FB5] =	sst s7  }
0x10: {  	[smem:$0x3FB6] =	sst s8  }
0x11: {  	[smem:$0x3FB7] =	sst s9;
	s0 =	simm.s32 @!p0 $0x0  }
0x12: {  	s1 =	sld [smem:$0x3F9D];
	s0 =	simm.s32 @p0 $0x1  }
0x13: {  	[smem:$0x3FB8] =	sst s0;
	s0 =	simm.s32 @!p1 $0x0  }
0x14: {  	s2 =	sld [smem:$0x3F9C];
	s0 =	simm.s32 @p1 $0x1  }
0x15: {  	[smem:$0x3FB9] =	sst s0;
	s0 =	simm.s32 @!p2 $0x0  }
0x16: {  	s3 =	sld [smem:$0x3FDB];
	s0 =	simm.s32 @p2 $0x1  }
0x17: {  	s4 =	simm.s32 $0x1BF5;
	[smem:$0x3FBB] =	sst s0  }
0x18: {  	s0 =	sld [smem:$0x3F9E];
	_ =	swait.ge [sflag:s4], $0x0  }
0x19: {  	s7 =	sld [smem:$0x3F9F]  }
0x1a: {  	s8 =	sadd.s32 $0xFFFFE003, lr  }
0x1b: {  	s9 =	sadd.s32 $0xFFFFFEF7, lr;
	s5 =	simm.s32 $0xFFFFFFFF;
	p2 =	slt.u32 s8, $0xFFFFF086  }
0x1c: {  	p1 =	slt.u32 s9, $0xF7A;
	s5 =	simm.s32 @!p2 $0x0  }
0x1d: {  	s5 =	simm.s32 @p1 $0x1;
	p0 =	seq.s32 s7, s2  }
0x1e: {  	s7 =	smul.u32 @!p0 $0xF7A, s2;
	p2 =	seq.s32 @!p0 s5, $0x0  }
0x1f: {  	s9 =	smul.u32 $0xF7A, s1;
	s8 =	simm.s32 @!p0 $0x1BF5;
	p2 =	por !p2, p0  }
0x20: {  	[sflag:s8] =	ssyncset.s32 @!p0 $0xFFFFF086;
	s6 =	sadd.s32 @!p0 s3, s7;
	s7 =	simm.s32 @!p0 $0x108  }
0x21: {  	s3 =	sadd.s32 s3, s9;
	s6 =	sadd.s32 @!p0 $0x88, s6;
	s7 =	simm.s32 @p2 $0x1082  }
0x22: {  	[simem:s7], [sflag:s8] =	dma.local @!p0 [hbm:s6], $0xF7A  }
0x23: {  	s9 =	sor.u32 $0xD0000000, s2;
	s6 =	simm.s32 $0x108;
	_ =	swait.ge @!p0 [sflag:s8], $0x0  }
0x24: {  	s3 =	sadd.s32 $0x88, s3;
	s6 =	simm.s32 @!p1 $0x1082;
	[sflag:s4] =	ssyncset.s32 $0xFFFFF086  }
0x25: {  	[simem:s6], [sflag:s4] =	dma.local [hbm:s3], $0xF7A  }
0x26: {  	[smem:$0x3F9F] =	sst s1;
	(tag) =	ssettag s2;
	_ =	strace s9  }
0x27: {  	s1 =	sld [smem:$0x3FAF]  }
0x28: {  	s2 =	sld [smem:$0x3FB0]  }
0x29: {  	s4 =	sld [smem:$0x3FB2]  }
0x2a: {  	p0 =	seq.s32 s5, $0x0;
	s5 =	sld [smem:$0x3FB3]  }
0x2b: {  	s6 =	sld [smem:$0x3FB4]  }
0x2c: {  	s7 =	sld [smem:$0x3FB5]  }
0x2d: {  	s3 =	simm.s32 $0x108;
	s8 =	sld [smem:$0x3FB6]  }
0x2e: {  	s3 =	simm.s32 @!p0 $0x1082;
	s9 =	sld [smem:$0x3FB7]  }
0x2f: {  	lr =	sadd.s32 s0, s3;
	s0 =	sld [smem:$0x3FAE]  }
0x30: {  	s3 =	sld [smem:$0x3FB1]  }
0x31: {  	[smem:$0x3FBA] =	sst s10  }
0x32: {  	s10 =	sld [smem:$0x3FB8];
	_ =	sdelay $0x3  }
0x33: {  	p0 =	seq.s32 s10, $0x1;
	s10 =	sld [smem:$0x3FBA];
	_ =	sdelay $0x3  }
0x34: {  	[smem:$0x3FBA] =	sst s10  }
0x35: {  	s10 =	sld [smem:$0x3FB9];
	_ =	sdelay $0x3  }
0x36: {  	p1 =	seq.s32 s10, $0x1;
	s10 =	sld [smem:$0x3FBA];
	_ =	sdelay $0x3  }
0x37: {  	[smem:$0x3FBA] =	sst s10  }
0x38: {  	s10 =	sld [smem:$0x3FBB]  }
0x39: {  	_ = 	snop;
	(pc) =	sbr.ind lr, $3  }
0x3a: {  	_ = 	snop  }
0x3b: {  	_ = 	snop  }
0x3c: {  	p2 =	seq.s32 s10, $0x1;
	s10 =	sld [smem:$0x3FBA]  }
0x3d: {  	_ =	shalt  }
0x3e: {  	_ =	shalt  }
0x3f: {  	_ =	shalt  }
0x40: {  	_ =	shalt  }
0x41: {  	_ =	shalt  }
0x42: {  	_ =	shalt  }
0x43: {  	_ =	shalt  }
0x44: {  	_ =	shalt  }
0x45: {  	_ =	shalt  }
0x46: {  	_ =	shalt  }
0x47: {  	_ =	shalt  }
0x48: {  	_ =	shalt  }
0x49: {  	_ =	shalt  }
0x4a: {  	_ =	shalt  }
0x4b: {  	_ =	shalt  }
0x4c: {  	_ =	shalt  }
0x4d: {  	_ =	shalt  }
0x4e: {  	_ =	shalt  }
0x4f: {  	_ =	shalt  }
0x50: {  	_ =	shalt  }
0x51: {  	_ =	shalt  }
0x52: {  	_ =	shalt  }
0x53: {  	_ =	shalt  }
0x54: {  	_ =	shalt  }
0x55: {  	_ =	shalt  }
0x56: {  	_ =	shalt  }
0x57: {  	_ =	shalt  }
0x58: {  	_ =	shalt  }
0x59: {  	_ =	shalt  }
0x5a: {  	_ =	shalt  }
0x5b: {  	_ =	shalt  }
0x5c: {  	_ =	shalt  }
0x5d: {  	_ =	shalt  }
0x5e: {  	_ =	shalt  }
0x5f: {  	_ =	shalt  }
0x60: {  	_ =	shalt  }
0x61: {  	_ =	shalt  }
0x62: {  	_ =	shalt  }
0x63: {  	_ =	shalt  }
0x64: {  	_ =	shalt  }
0x65: {  	_ =	shalt  }
0x66: {  	_ =	shalt  }
0x67: {  	_ =	shalt  }
0x68: {  	_ =	shalt  }
0x69: {  	_ =	shalt  }
0x6a: {  	_ =	shalt  }
0x6b: {  	_ =	shalt  }
0x6c: {  	_ =	shalt  }
0x6d: {  	_ =	shalt  }
0x6e: {  	_ =	shalt  }
0x6f: {  	_ =	shalt  }
0x70: {  	_ =	shalt  }
0x71: {  	_ =	shalt  }
0x72: {  	_ =	shalt  }
0x73: {  	_ =	shalt  }
0x74: {  	_ =	shalt  }
0x75: {  	_ =	shalt  }
0x76: {  	_ =	shalt  }
0x77: {  	_ =	shalt  }
0x78: {  	_ =	shalt  }
0x79: {  	_ =	shalt  }
0x7a: {  	_ =	shalt  }
0x7b: {  	_ =	shalt  }
0x7c: {  	_ =	shalt  }
0x7d: {  	_ =	shalt  }
0x7e: {  	_ =	shalt  }
0x7f: {  	_ =	shalt  }
0x80: {  	_ =	shalt  }
0x81: {  	_ =	shalt  }
0x82: {  	_ =	shalt  }
0x83: {  	_ =	shalt  }
0x84: {  	_ =	shalt  }
0x85: {  	_ =	shalt  }
0x86: {  	_ =	shalt  }
0x87: {  	_ =	shalt  }
.Lfunc_end0:
.L_simem_size_0:
called_computation_lowered:
.L_overlay_start_0:
0x88: {  	s2 =	sld [smem:$0x3FD9]  }
0x89: {  	s3 =	sld [smem:$0x3FFE];
	_ =	sdelay $0x1  }
0x8a: {  	s1 =	srdreg.scid  }
0x8b: {  	s0 =	sand.u32 $0x1, s1  }
0x8c: {  	s17 =	sshll.u32 s0, $0xA;
	s2 =	sadd.s32 s3, s2  }
0x8d: {  	s2 =	sadd.s32 s2, s17  }
0x8e: {  	[smem:$0x3FC6] =	sst s2  }
0x8f: {  	_ = 	snop  }
0x90: {  	s2 =	sld [smem:$0x3FD0];
	(tm) =	ssettm $0x1  }
0x91: {  	s18 =	sld [smem:$0x3FFB];
	_ =	sdelay $0x3  }
0x92: {  	_ =	strace s18  }
0x93: {  	s3 =	sld [smem:$0x3FFC];
	_ =	sdelay $0x3  }
0x94: {  	_ =	strace s3  }
0x95: {  	s3 =	sld [smem:$0x3FFD];
	_ =	sdelay $0x3  }
0x96: {  	_ =	strace s3  }
0x97: {  	_ =	strace $0x8FFFFFFF  }
0x98: {  	s19 =	sld [smem:$0x3FDB];
	_ =	sdelay $0x1  }
0x99: {  	s4 =	simm.s32 $_scs_section_size  }
0x9a: {  	s5 =	simm.s32 $_size__tile_overlayer_lowered;
	s6 =	simm.s32 $_tile_overlayer_lowered  }
0x9b: {  	s22 =	simm.s32 $0x1BFF;
	s21 =	sshll.u32 s6, $0x1;
	s3 =	sadd.s32 s4, s19  }
0x9c: {  	s7 =	simm.s32 $0x0;
	s20 =	sshll.u32 s5, $0x1;
	s5 =	sadd.s32 s21, s3  }
0x9d: {  	[timem:s7], [sflag:s22] =	dma.local [hbm:s5], s20  }
0x9e: {  	_ =	swait.ge [sflag:s22], s20  }
0x9f: {  	s4 =	ssub.s32 $0x0, s20;
	[sflag:s22] =	ssyncset.done $0x0  }
0xa0: {  	[sflag:s22] =	ssyncadd.s32 s4;
	_ =	sdelay $0x1  }
0xa1: {  	s23 =	simm.s32 $0x1B8B  }
0xa2: {  	_ =	swait.ge [sflag:s23], $0x1  }
0xa3: {  	[sflag:s23] =	ssyncset.done $0x0  }
0xa4: {  	s25 =	simm.s32 $0x1B8E;
	s24 =	sld [smem:$0x3FFE];
	[sflag:s23] =	ssyncadd.s32 $0xFFFFFFFF  }
0xa5: {  	s26 =	simm.s32 $execute0_lowered;
	[smem:$0x3FD2] =	sst s25  }
0xa6: {  	s5 =	sshll.u32 s26, $0x1;
	_ =	strace $0x80000046;
	[dreg:$0x1] =	wrdreg $0xFFFFFFFF  }
0xa7: {  	s28 =	simm.s32 $_size_execute0_lowered;
	s3 =	sadd.s32 s3, s5;
	[dreg:$0x0] =	wrdreg $0x0  }
0xa8: {  	s5 =	sshll.u32 s28, $0x1;
	[dreg:$0x2] =	wrdreg s3  }
0xa9: {  	[dreg:$0x3] =	wrdreg s5  }
0xaa: {  	[dreg:$0x4] =	wrdreg $0xC0  }
0xab: {  	_ =	task [dreg:s7], $0x5FFFF  }
0xac: {  	[dreg:$0x1] =	wrdreg $0xFFFFFFFF  }
0xad: {  	[dreg:$0x0] =	wrdreg $0x60  }
0xae: {  	[dreg:$0x2] =	wrdreg s2  }
0xaf: {  	[dreg:$0x3] =	wrdreg s24  }
0xb0: {  	[dreg:$0x4] =	wrdreg $0x9  }
0xb1: {  	_ =	task.clear_ibuf [dreg:s7], $0x5FFFF;
	_ =	strace $0x90000046  }
0xb2: {  	s29 =	simm.s32 $0x9;
	_ =	strace $0x80000048  }
0xb3: {  	_ =	swait.ge [sflag:s29], $0x1  }
0xb4: {  	[sflag:s29] =	ssyncadd.s32 $0xFFFFFFFF  }
0xb5: {  	_ =	strace $0x90000048  }
0xb6: {  	_ =	sfence  }
0xb7: {  	s30 =	sld [smem:$0x0];
	_ =	sdelay $0x2  }
0xb8: {  	s31 =	sshll.u32 s1, $0xD;
	s1 =	sshrl.u32 s1, $0x2  }
0xb9: {  	s3 =	sand.u32 $0x4000, s31;
	s1 =	sadd.s32 s1, s30  }
0xba: {  	s0 =	sor.u32 s3, s0;
	s1 =	sshll.u32 s1, $0x11  }
0xbb: {  	s0 =	sor.u32 s1, s0  }
0xbc: {  	s0 =	sadd.s32 $0x8F2B, s0  }
0xbd: {  	[sflag:s0] =	ssyncadd.remote.s32 $0x1  }
0xbe: {  	_ =	sfence.sel $0xFFFF  }
0xbf: {  	[dreg:$0x0] =	wrdreg $0xFFFFFFFF;
	(pc) =	sbr.abs _section_cstart, $3  }
0xc0: {  	[dreg:$0x1] =	wrdreg $0xFFFFFFFF  }
0xc1: {  	_ =	task.clear_ibuf [dreg:s7], $0x2FFFF;
	_ =	strace $0x9FFFFFFF  }
0xc2: {  	(tm) =	ssettm $0x7FFFFFFF  }
0xc3: {  	_ =	shalt  }
tec
execute0_lowered:
.L_overlay_start_1:
0x0: {  	(tag) =	ssettag $0x1  }
0x1: {  	s1 =	srdreg.scid;
	s0 =	stileid.u32  }
0x2: {  	s2 =	rddreg [dreg:$0x0];
	s14 =	sand.u32 $0x1, s1;
	s29 =	sshll.u32 s0, $0x1  }
0x3: {  	s15 =	rddreg [dreg:$0x1];
	s16 =	sor.u32 s14, s29  }
0x4: {  	s3 =	simm.s32 $0x0;
	s1 =	rddreg [dreg:$0x2];
	s4 =	sshll.u32 s16, $0x6  }
0x5: {  	[smem:$0x7FF] =	sst s3;
	s4 =	sadd.s32 s4, s15  }
0x6: {  	_ =	strace $0x80000047;
	s5 =	sadd.s32 $0x800, s4;
	s4 =	simm.s32 $0x2  }
0x7: {  	[tilespmem:s3], [sflag:$0x2] =	stream.linear.gather [hbm4b:s5+s3], $0x200, $0x38;
	[tilespmem:$0x4200] =	vst v63  }
0x8: {  	_ =	swait.ge [sflag:s4], $0x200  }
0x9: {  	[sflag:s4] =	ssyncset.done $0x0  }
0xa: {  	s6 =	simm.s32 $0x80;
	s7 =	simm.s32 $0x200;
	[sflag:s4] =	ssyncadd.s32 $0xFFFFFE00  }
0xb: {  	[tilespmem:s7], [sflag:$0x1] =	stream.indirect.gather [hbm4b:s2+s6], $0x20, s3, s6, $0xb8;
	[tilespmem:$0x4200] =	vst v63  }
0xc: {  	s8 =	simm.s32 $0x1200  }
0xd: {  	[tilespmem:s8], [sflag:$0x1] =	stream.indirect.gather [hbm4b:s2+s6], $0x20, s6, s6, $0xb8;
	[tilespmem:$0x4200] =	vst v63  }
0xe: {  	s9 =	simm.s32 $0x100;
	s10 =	simm.s32 $0x2200  }
0xf: {  	[tilespmem:s10], [sflag:$0x1] =	stream.indirect.gather [hbm4b:s2+s6], $0x20, s9, s6, $0xb8;
	[tilespmem:$0x4200] =	vst v63  }
0x10: {  	s11 =	simm.s32 $0x180;
	s12 =	simm.s32 $0x3200;
	s13 =	simm.s32 $0x1  }
0x11: {  	[tilespmem:s12], [sflag:$0x1] =	stream.indirect.gather [hbm4b:s2+s6], $0x20, s11, s6, $0xb8;
	[tilespmem:$0x4200] =	vst v63  }
0x12: {  	_ =	swait.ge [sflag:s13], $0x1000  }
0x13: {  	[sflag:s13] =	ssyncset.done $0x0  }
0x14: {  	[sflag:s13] =	ssyncadd.s32 $0xFFFFF000  }
0x15: {  	_ =	swait.ge [sflag:s13], $0x1000  }
0x16: {  	[sflag:s13] =	ssyncset.done $0x0  }
0x17: {  	s14 =	ssub.s32 $0x2, s14;
	[sflag:s13] =	ssyncadd.s32 $0xFFFFF000  }
0x18: {  	s17 =	sshrl.u32 s14, $0x1;
	_ =	swait.ge [sflag:s13], $0x1000  }
0x19: {  	s30 =	ssub.s32 s14, s17;
	[sflag:s13] =	ssyncset.done $0x0  }
0x1a: {  	s31 =	smax.u32 s30, $0x1;
	[sflag:s13] =	ssyncadd.s32 $0xFFFFF000  }
0x1b: {  	s16 =	sshll.u32 s16, $0xB;
	p0 =	sne.s32 s31, $0x1;
	_ =	swait.ge [sflag:s13], $0x1000  }
.Ltmp0:
0x1c: {  	s15 =	sadd.s32 s16, s15;
	[sflag:s13] =	ssyncset.done $0x0;
	(pc) =	sbr.rel @!p0 .LBB2_2-.Ltmp0, $4  }
0x1d: {  	s14 =	sadd.s32 $0x1000, s15;
	[sflag:s13] =	ssyncadd.s32 $0xFFFFF000  }
0x1e: {  	[hbm4b:s14+s3] =	stream.linear.scatter [tilespmem:s7], [sflag:$0x2], $0x4000, $0x38;
	[tilespmem:$0x4200] =	vst v63  }
0x1f: {  	_ =	swait.ge [sflag:s4], $0x4000  }
0x20: {  	s15 =	sadd.s32 $0xFFFFFFFF, s31;
	[sflag:s4] =	ssyncset.done $0x0  }
.LBB2_1:
0x21: {  	p0 =	sne.s32 s15, $0x1;
	s15 =	sadd.s32 $0xFFFFFFFF, s15;
	[sflag:s4] =	ssyncadd.s32 $0xFFFFC000  }
0x22: {  	[tilespmem:s3], [sflag:$0x2] =	stream.linear.gather [hbm4b:s5+s3], $0x200, $0x38;
	[tilespmem:$0x4200] =	vst v63  }
0x23: {  	_ =	swait.ge [sflag:s4], $0x200  }
0x24: {  	[sflag:s4] =	ssyncset.done $0x0  }
0x25: {  	[sflag:s4] =	ssyncadd.s32 $0xFFFFFE00  }
0x26: {  	[tilespmem:s7], [sflag:$0x1] =	stream.indirect.gather [hbm4b:s2+s6], $0x20, s3, s6, $0xb8;
	[tilespmem:$0x4200] =	vst v63  }
0x27: {  	_ = 	snop  }
0x28: {  	[tilespmem:s8], [sflag:$0x1] =	stream.indirect.gather [hbm4b:s2+s6], $0x20, s6, s6, $0xb8;
	[tilespmem:$0x4200] =	vst v63  }
0x29: {  	_ = 	snop  }
0x2a: {  	[tilespmem:s10], [sflag:$0x1] =	stream.indirect.gather [hbm4b:s2+s6], $0x20, s9, s6, $0xb8;
	[tilespmem:$0x4200] =	vst v63  }
0x2b: {  	_ = 	snop  }
0x2c: {  	[tilespmem:s12], [sflag:$0x1] =	stream.indirect.gather [hbm4b:s2+s6], $0x20, s11, s6, $0xb8;
	[tilespmem:$0x4200] =	vst v63  }
0x2d: {  	_ =	swait.ge [sflag:s13], $0x1000  }
0x2e: {  	[sflag:s13] =	ssyncset.done $0x0  }
0x2f: {  	[sflag:s13] =	ssyncadd.s32 $0xFFFFF000  }
0x30: {  	_ =	swait.ge [sflag:s13], $0x1000  }
0x31: {  	[sflag:s13] =	ssyncset.done $0x0  }
0x32: {  	[sflag:s13] =	ssyncadd.s32 $0xFFFFF000  }
0x33: {  	_ =	swait.ge [sflag:s13], $0x1000  }
0x34: {  	[sflag:s13] =	ssyncset.done $0x0  }
0x35: {  	[sflag:s13] =	ssyncadd.s32 $0xFFFFF000  }
0x36: {  	_ =	swait.ge [sflag:s13], $0x1000  }
.Ltmp1:
0x37: {  	[sflag:s13] =	ssyncset.done $0x0;
	(pc) =	sbr.rel @p0 .LBB2_1-.Ltmp1, $4  }
0x38: {  	[sflag:s13] =	ssyncadd.s32 $0xFFFFF000  }
0x39: {  	[hbm4b:s14+s3] =	stream.linear.scatter [tilespmem:s7], [sflag:$0x2], $0x4000, $0x38;
	[tilespmem:$0x4200] =	vst v63  }
0x3a: {  	_ =	swait.ge [sflag:s4], $0x4000  }
0x3b: {  	[sflag:s4] =	ssyncset.done $0x0  }
.LBB2_2:
0x3c: {  	[sflag:s4] =	ssyncadd.s32 $0xFFFFC000  }
0x3d: {  	_ =	sfence.sel $0x180000  }
0x3e: {  	[bflag:$0x0] =	sbarrier.arrive $0xFFFF  }
0x3f: {  	p0 =	sne.s32 s0, $0x0;
	_ =	strace $0x90000047  }
0x40: {  	s0 =	sadd.s32 @!p0 $0x100000, s1;
	[bflag:$0x2] =	sbarrier.arrive $0xFFFF  }
0x41: {  	[sflag:s0] =	ssyncadd.tile.s32 @!p0 $0x1;
	_ =	shalt  }
.Lfunc_end2:
_tile_overlayer_lowered:
.L_overlay_start_2:
0x42: {  	(tag) =	ssettag $0x2  }
0x43: {  	s0 =	rddreg [dreg:$0x0];
	s2 =	stileid.u32  }
0x44: {  	s1 =	rddreg [dreg:$0x1];
	p0 =	sne.s32 s2, $0x0  }
0x45: {  	s3 =	rddreg [dreg:$0x2];
	[bflag:$0x3] =	sbarrier.arrive $0xFFFF;
	s2 =	simm.s32 @!p0 $0x1C02  }
0x46: {  	[timem:s3], [sflag:s2] =	dma.local @!p0 [hbm:s0], s1  }
0x47: {  	s0 =	simm.s32 @!p0 $0x2  }
0x48: {  	_ =	swait.ge @!p0 [sflag:s0], s1  }
0x49: {  	s1 =	ssub.s32 @!p0 $0x0, s1;
	[sflag:s0] =	ssyncset.done @!p0 $0x0  }
0x4a: {  	[sflag:s0] =	ssyncadd.s32 @!p0 s1  }
0x4b: {  	[bflag:$0x3] =	sbarrier.arrive $0xFFFF  }
0x4c: {  	_ =	shalt  }

</sc_bundles>
